<compile_context>
chip_gen: v7x
topology: tpu7x:2x2x1
jax: 0.10.2.dev20260603
libtpu: 0.0.44.dev20260713+nightly
codegen_flags: <defaults>
</compile_context>

<pallas_src>
import jax
import jax.numpy as jnp
from jax import lax
from jax.experimental import pallas as pl
from jax.experimental.pallas import tpu as pltpu
from jax.experimental.pallas import tpu_sc as plsc
from jax._src.pallas import mpmd as _mpmd

N_NODES = 1_000_000
MEM_DIM = 64
MSG_DIM = 128
B = 65536

NUM_WORKERS = 32
CHUNK = B // NUM_WORKERS
NSUB = 4
SUB = CHUNK // NSUB

def _matmul_body(msg_ref, w_ref, b_ref, out_ref):
    out_ref[...] = (
        jnp.dot(msg_ref[...], w_ref[...], preferred_element_type=jnp.float32)
        + b_ref[...]
    )


def _sc_scatter_body(ids_hbm, lo_hbm, ts_hbm, upd_hbm, mem0_hbm, lu0_hbm,
                     out_mem_hbm, out_lu_hbm,
                     idx_v, lo_v, rows_v, tse_v, sgm, sgt, ssm, sst):
    wid = lax.axis_index("s") * 2 + lax.axis_index("c")
    pltpu.sync_copy(ids_hbm.at[wid], idx_v)
    pltpu.sync_copy(lo_hbm.at[wid], lo_v)

    def start_gather(j):
        b = j % 2
        return (
            pltpu.async_copy(upd_hbm.at[lo_v.at[j]], rows_v.at[b], sgm),
            pltpu.async_copy(ts_hbm.at[lo_v.at[j]], tse_v.at[b], sgt),
        )

    g = start_gather(0)
    prev_s = None
    for j in range(NSUB):
        b = j % 2
        g[0].wait()
        g[1].wait()
        if j + 1 < NSUB and prev_s is not None:
            prev_s[0].wait()
            prev_s[1].wait()
        s = (
            pltpu.async_copy(rows_v.at[b], out_mem_hbm.at[idx_v.at[j]], ssm),
            pltpu.async_copy(tse_v.at[b], out_lu_hbm.at[idx_v.at[j]], sst),
        )
        if j + 1 < NSUB:
            g = start_gather(j + 1)
        prev_s, s = s, None
    prev_s[0].wait()
    prev_s[1].wait()


def _tc_matmul(messages, W, b):
    grid = B // CHUNK
    msg2 = messages.reshape(B // 2, 2 * MSG_DIM)
    zero = jnp.zeros_like(W)
    W2 = jnp.block([[W, zero], [zero, W]])
    b2 = jnp.concatenate([b, b]).reshape(1, 2 * MEM_DIM)
    return pl.pallas_call(
        _matmul_body,
        grid=(grid,),
        in_specs=[
            pl.BlockSpec((CHUNK // 2, 2 * MSG_DIM), lambda i: (i, 0)),
            pl.BlockSpec((2 * MSG_DIM, 2 * MEM_DIM), lambda i: (0, 0)),
            pl.BlockSpec((1, 2 * MEM_DIM), lambda i: (0, 0)),
        ],
        out_specs=pl.BlockSpec((CHUNK // 2, 2 * MEM_DIM), lambda i: (i, 0)),
        out_shape=jax.ShapeDtypeStruct((B // 2, 2 * MEM_DIM), jnp.float32),
    )(msg2, W2, b2)


def _sc_scatter(ids3, lo3, ts, updated, mem0, lu0):
    mesh = plsc.VectorSubcoreMesh(core_axis_name="c", subcore_axis_name="s")
    fn = _mpmd._mpmd_map(
        [(mesh, _sc_scatter_body)],
        [
            jax.ShapeDtypeStruct((N_NODES, MEM_DIM), jnp.float32),
            jax.ShapeDtypeStruct((N_NODES,), jnp.float32),
        ],
        input_output_aliases={4: 0, 5: 1},
        compiler_params=pltpu.CompilerParams(use_tc_tiling_on_sc=False),
        scratch_types=[
            pltpu.VMEM((NSUB, SUB), jnp.int32),
            pltpu.VMEM((NSUB, SUB), jnp.int32),
            pltpu.VMEM((2, SUB, MEM_DIM), jnp.float32),
            pltpu.VMEM((2, SUB), jnp.float32),
            pltpu.SemaphoreType.DMA,
            pltpu.SemaphoreType.DMA,
            pltpu.SemaphoreType.DMA,
            pltpu.SemaphoreType.DMA,
        ],
    )
    return fn(ids3, lo3, ts, updated, mem0, lu0)


def kernel(unique_node_ids, unique_messages, timestamps, memory, last_update,
           W, b):
    ids = unique_node_ids.astype(jnp.int32)
    iota = jnp.arange(B, dtype=jnp.int32)
    is_last = jnp.concatenate(
        [ids[1:] != ids[:-1], jnp.ones((1,), dtype=bool)])
    last_occ = lax.cummin(jnp.where(is_last, iota, B), axis=0, reverse=True)
    ids3 = ids.reshape(NUM_WORKERS, NSUB, SUB)
    lo3 = last_occ.reshape(NUM_WORKERS, NSUB, SUB)
    updated = _tc_matmul(unique_messages, W, b).reshape(B, MEM_DIM)
    out_mem, out_lu = _sc_scatter(ids3, lo3, timestamps, updated, memory,
                                  last_update)
    return (out_mem, out_lu)

# --- scband reference (transcript-rebuilt; emitter-appended) ---
"""Pipeline reference for scband-sequence-memory-updater-54107997995380 (READ-ONLY COPY).

The authoritative reference and input builder live on the scoring server;
editing this copy changes nothing except your own understanding.
"""

import jax, jax.numpy as jnp
import numpy as np

N_NODES = 1_000_000
MEM_DIM = 64
MSG_DIM = 128
B = 65536


def setup_inputs(seed: int = 0) -> dict:
    key = jax.random.key(seed)
    k1, k2, k3, k4, k5 = jax.random.split(key, 5)
    unique_node_ids = jnp.sort(jax.random.randint(k1, (B,), 0, N_NODES)).astype(jnp.int64)
    unique_messages = jax.random.normal(k2, (B, MSG_DIM), dtype=jnp.float32)
    timestamps = jax.random.uniform(k3, (B,), dtype=jnp.float32) * 1e6
    # persistent state held by self.memory in the torch module
    memory = jax.random.normal(k4, (N_NODES, MEM_DIM), dtype=jnp.float32)
    last_update = jnp.zeros((N_NODES,), dtype=jnp.float32)
    # learned params of the (subclass-provided) memory_updater: Linear(msg_dim -> mem_dim)
    W = jax.random.normal(k5, (MSG_DIM, MEM_DIM), dtype=jnp.float32) * (1.0 / np.sqrt(MSG_DIM))
    b = jnp.zeros((MEM_DIM,), dtype=jnp.float32)
    return {
        "unique_node_ids": unique_node_ids,
        "unique_messages": unique_messages,
        "timestamps": timestamps,
        "memory": memory,
        "last_update": last_update,
        "W": W,
        "b": b,
    }


def reference(unique_node_ids, unique_messages, timestamps, memory, last_update, W, b):
    # SequenceMemoryUpdater.get_updated_memory:
    #   updated_memory = memory.clone(); updated_memory[ids] = memory_updater(messages)
    #   updated_last_update = last_update.clone(); updated_last_update[ids] = timestamps
    updated = unique_messages @ W + b  # memory_updater(unique_messages)
    updated_memory = memory.at[unique_node_ids].set(updated)
    updated_last_update = last_update.at[unique_node_ids].set(timestamps)
    return (updated_memory, updated_last_update)

if __name__ == "__main__":
    import jax
    _d = setup_inputs()
    print(jax.jit(kernel)(*tuple(_d.values())))

</pallas_src>

<mosaic_0001>
#map = affine_map<(d0, d1) -> (0, 0, 0)>
#map1 = affine_map<(d0, d1) -> (0)>
#map2 = affine_map<(d0, d1) -> (0, 0)>
module attributes {stable_mosaic.version = 14 : i64} {
  func.func @_sc_scatter_body(%arg0: i32, %arg1: i32, %arg2: memref<32x4x512xi32, #tpu.memory_space<hbm>>, %arg3: memref<32x4x512xi32, #tpu.memory_space<hbm>>, %arg4: memref<65536xf32, #tpu.memory_space<hbm>>, %arg5: memref<65536x64xf32, #tpu.memory_space<hbm>>, %arg6: memref<1000000x64xf32, #tpu.memory_space<hbm>>, %arg7: memref<1000000xf32, #tpu.memory_space<hbm>>, %arg8: memref<1000000x64xf32, #tpu.memory_space<hbm>>, %arg9: memref<1000000xf32, #tpu.memory_space<hbm>>, %arg10: memref<4x512xi32, #tpu.memory_space<vmem>>, %arg11: memref<4x512xi32, #tpu.memory_space<vmem>>, %arg12: memref<2x512x64xf32, #tpu.memory_space<vmem>>, %arg13: memref<2x512xf32, #tpu.memory_space<vmem>>, %arg14: memref<!tpu.dma_semaphore, #tpu.memory_space<semaphore_mem>>, %arg15: memref<!tpu.dma_semaphore, #tpu.memory_space<semaphore_mem>>, %arg16: memref<!tpu.dma_semaphore, #tpu.memory_space<semaphore_mem>>, %arg17: memref<!tpu.dma_semaphore, #tpu.memory_space<semaphore_mem>>) attributes {dimension_semantics = [#tpu.dimension_semantics<core_parallel>, #tpu.dimension_semantics<subcore_parallel>], iteration_bounds = array<i64: 2, 16>, scalar_prefetch = 0 : i64, scratch_operands = 8 : i64, tpu.core_type = #tpu.core_type<sc_vector_subcore>, window_params = [{transform_indices = #map}, {transform_indices = #map}, {transform_indices = #map1}, {transform_indices = #map2}, {transform_indices = #map2}, {transform_indices = #map1}, {transform_indices = #map2}, {transform_indices = #map1}]} {
    %mul3A = arith.constant 2 : i32
    %mul3A_0 = arith.muli %arg1, %mul3A : i32
    %add3A = arith.addi %mul3A_0, %arg0 : i32
    "tpu.region"() ({
      %run_scoped3A = tpu.sem_alloc : memref<!tpu.dma_semaphore, #tpu.memory_space<semaphore_mem>>
      %dma_start3A_329 = arith.constant 0 : i32
      %dma_start3A_330 = arith.constant 0 : i32
      %dma_start3A_331 = tpu.memref_slice %arg2[%add3A, %dma_start3A_329, %dma_start3A_330] : memref<32x4x512xi32, #tpu.memory_space<hbm>> -> memref<1x4x512xi32, #tpu.memory_space<hbm>>
      %dma_start3A_332 = tpu.memref_squeeze %dma_start3A_331 : memref<1x4x512xi32, #tpu.memory_space<hbm>> -> memref<4x512xi32, #tpu.memory_space<hbm>>
      %dma_start3A_333 = arith.constant 0 : i32
      %dma_start3A_334 = arith.constant 0 : i32
      %dma_start3A_335 = tpu.memref_slice %arg2[%add3A, %dma_start3A_333, %dma_start3A_334] : memref<32x4x512xi32, #tpu.memory_space<hbm>> -> memref<1x4x512xi32, #tpu.memory_space<hbm>>
      %dma_start3A_336 = tpu.memref_squeeze %dma_start3A_335 : memref<1x4x512xi32, #tpu.memory_space<hbm>> -> memref<4x512xi32, #tpu.memory_space<hbm>>
      tpu.enqueue_dma source(%dma_start3A_336 : memref<4x512xi32, #tpu.memory_space<hbm>>) target(%arg10 : memref<4x512xi32, #tpu.memory_space<vmem>>) target_semaphore(%run_scoped3A : memref<!tpu.dma_semaphore, #tpu.memory_space<semaphore_mem>>)
      %dma_wait3A_337 = arith.constant 0 : i32
      %dma_wait3A_338 = arith.constant 0 : i32
      %dma_wait3A_339 = tpu.memref_slice %arg2[%add3A, %dma_wait3A_337, %dma_wait3A_338] : memref<32x4x512xi32, #tpu.memory_space<hbm>> -> memref<1x4x512xi32, #tpu.memory_space<hbm>>
      %dma_wait3A_340 = tpu.memref_squeeze %dma_wait3A_339 : memref<1x4x512xi32, #tpu.memory_space<hbm>> -> memref<4x512xi32, #tpu.memory_space<hbm>>
      %dma_wait3A_341 = arith.constant 0 : i32
      %dma_wait3A_342 = arith.constant 0 : i32
      %dma_wait3A_343 = tpu.memref_slice %arg2[%add3A, %dma_wait3A_341, %dma_wait3A_342] : memref<32x4x512xi32, #tpu.memory_space<hbm>> -> memref<1x4x512xi32, #tpu.memory_space<hbm>>
      %dma_wait3A_344 = tpu.memref_squeeze %dma_wait3A_343 : memref<1x4x512xi32, #tpu.memory_space<hbm>> -> memref<4x512xi32, #tpu.memory_space<hbm>>
      tpu.wait_dma2 semaphore(%run_scoped3A : memref<!tpu.dma_semaphore, #tpu.memory_space<semaphore_mem>>) src(%dma_wait3A_344 : memref<4x512xi32, #tpu.memory_space<hbm>>) dst(%arg10 : memref<4x512xi32, #tpu.memory_space<vmem>>)
      tpu.yield
    }) : () -> ()
    "tpu.region"() ({
      %run_scoped3A = tpu.sem_alloc : memref<!tpu.dma_semaphore, #tpu.memory_space<semaphore_mem>>
      %dma_start3A_329 = arith.constant 0 : i32
      %dma_start3A_330 = arith.constant 0 : i32
      %dma_start3A_331 = tpu.memref_slice %arg3[%add3A, %dma_start3A_329, %dma_start3A_330] : memref<32x4x512xi32, #tpu.memory_space<hbm>> -> memref<1x4x512xi32, #tpu.memory_space<hbm>>
      %dma_start3A_332 = tpu.memref_squeeze %dma_start3A_331 : memref<1x4x512xi32, #tpu.memory_space<hbm>> -> memref<4x512xi32, #tpu.memory_space<hbm>>
      %dma_start3A_333 = arith.constant 0 : i32
      %dma_start3A_334 = arith.constant 0 : i32
      %dma_start3A_335 = tpu.memref_slice %arg3[%add3A, %dma_start3A_333, %dma_start3A_334] : memref<32x4x512xi32, #tpu.memory_space<hbm>> -> memref<1x4x512xi32, #tpu.memory_space<hbm>>
      %dma_start3A_336 = tpu.memref_squeeze %dma_start3A_335 : memref<1x4x512xi32, #tpu.memory_space<hbm>> -> memref<4x512xi32, #tpu.memory_space<hbm>>
      tpu.enqueue_dma source(%dma_start3A_336 : memref<4x512xi32, #tpu.memory_space<hbm>>) target(%arg11 : memref<4x512xi32, #tpu.memory_space<vmem>>) target_semaphore(%run_scoped3A : memref<!tpu.dma_semaphore, #tpu.memory_space<semaphore_mem>>)
      %dma_wait3A_337 = arith.constant 0 : i32
      %dma_wait3A_338 = arith.constant 0 : i32
      %dma_wait3A_339 = tpu.memref_slice %arg3[%add3A, %dma_wait3A_337, %dma_wait3A_338] : memref<32x4x512xi32, #tpu.memory_space<hbm>> -> memref<1x4x512xi32, #tpu.memory_space<hbm>>
      %dma_wait3A_340 = tpu.memref_squeeze %dma_wait3A_339 : memref<1x4x512xi32, #tpu.memory_space<hbm>> -> memref<4x512xi32, #tpu.memory_space<hbm>>
      %dma_wait3A_341 = arith.constant 0 : i32
      %dma_wait3A_342 = arith.constant 0 : i32
      %dma_wait3A_343 = tpu.memref_slice %arg3[%add3A, %dma_wait3A_341, %dma_wait3A_342] : memref<32x4x512xi32, #tpu.memory_space<hbm>> -> memref<1x4x512xi32, #tpu.memory_space<hbm>>
      %dma_wait3A_344 = tpu.memref_squeeze %dma_wait3A_343 : memref<1x4x512xi32, #tpu.memory_space<hbm>> -> memref<4x512xi32, #tpu.memory_space<hbm>>
      tpu.wait_dma2 semaphore(%run_scoped3A : memref<!tpu.dma_semaphore, #tpu.memory_space<semaphore_mem>>) src(%dma_wait3A_344 : memref<4x512xi32, #tpu.memory_space<hbm>>) dst(%arg11 : memref<4x512xi32, #tpu.memory_space<vmem>>)
      tpu.yield
    }) : () -> ()
    %dma_start3A = arith.constant 0 : i32
    %dma_start3A_1 = arith.constant 0 : i32
    %dma_start3A_2 = arith.constant 0 : i32
    %dma_start3A_3 = arith.constant 0 : i32
    %dma_start3A_4 = tpu.memref_slice %arg12[%dma_start3A_1, %dma_start3A_2, %dma_start3A_3] : memref<2x512x64xf32, #tpu.memory_space<vmem>> -> memref<1x512x64xf32, #tpu.memory_space<vmem>>
    %dma_start3A_5 = tpu.memref_squeeze %dma_start3A_4 : memref<1x512x64xf32, #tpu.memory_space<vmem>> -> memref<512x64xf32, #tpu.memory_space<vmem>>
    %dma_start3A_6 = arith.constant 0 : i32
    %dma_start3A_7 = tpu.memref_slice %arg11[%dma_start3A, %dma_start3A_6] : memref<4x512xi32, #tpu.memory_space<vmem>> -> memref<1x512xi32, #tpu.memory_space<vmem>>
    %dma_start3A_8 = tpu.memref_squeeze %dma_start3A_7 : memref<1x512xi32, #tpu.memory_space<vmem>> -> memref<512xi32, #tpu.memory_space<vmem>>
    %dma_start3A_9 = arith.constant 0 : i32
    %dma_start3A_10 = arith.constant 0 : i32
    %dma_start3A_11 = tpu.memref_slice %arg5[%dma_start3A_9, %dma_start3A_10] : memref<65536x64xf32, #tpu.memory_space<hbm>> -> memref<65536x64xf32, #tpu.memory_space<hbm>>
    tpu.enqueue_indirect_dma source(%dma_start3A_11 : memref<65536x64xf32, #tpu.memory_space<hbm>>) target(%dma_start3A_5 : memref<512x64xf32, #tpu.memory_space<vmem>>) offsets(%dma_start3A_8 : memref<512xi32, #tpu.memory_space<vmem>>) semaphore(%arg14 : memref<!tpu.dma_semaphore, #tpu.memory_space<semaphore_mem>>)
    %dma_start3A_12 = arith.constant 0 : i32
    %dma_start3A_13 = arith.constant 0 : i32
    %dma_start3A_14 = arith.constant 0 : i32
    %dma_start3A_15 = tpu.memref_slice %arg13[%dma_start3A_13, %dma_start3A_14] : memref<2x512xf32, #tpu.memory_space<vmem>> -> memref<1x512xf32, #tpu.memory_space<vmem>>
    %dma_start3A_16 = tpu.memref_squeeze %dma_start3A_15 : memref<1x512xf32, #tpu.memory_space<vmem>> -> memref<512xf32, #tpu.memory_space<vmem>>
    %dma_start3A_17 = arith.constant 0 : i32
    %dma_start3A_18 = tpu.memref_slice %arg11[%dma_start3A_12, %dma_start3A_17] : memref<4x512xi32, #tpu.memory_space<vmem>> -> memref<1x512xi32, #tpu.memory_space<vmem>>
    %dma_start3A_19 = tpu.memref_squeeze %dma_start3A_18 : memref<1x512xi32, #tpu.memory_space<vmem>> -> memref<512xi32, #tpu.memory_space<vmem>>
    %dma_start3A_20 = arith.constant 0 : i32
    %dma_start3A_21 = tpu.memref_slice %arg4[%dma_start3A_20] : memref<65536xf32, #tpu.memory_space<hbm>> -> memref<65536xf32, #tpu.memory_space<hbm>>
    tpu.enqueue_indirect_dma source(%dma_start3A_21 : memref<65536xf32, #tpu.memory_space<hbm>>) target(%dma_start3A_16 : memref<512xf32, #tpu.memory_space<vmem>>) offsets(%dma_start3A_19 : memref<512xi32, #tpu.memory_space<vmem>>) semaphore(%arg15 : memref<!tpu.dma_semaphore, #tpu.memory_space<semaphore_mem>>)
    %dma_wait3A = arith.constant 0 : i32
    %dma_wait3A_22 = arith.constant 0 : i32
    %dma_wait3A_23 = arith.constant 0 : i32
    %dma_wait3A_24 = arith.constant 0 : i32
    %dma_wait3A_25 = tpu.memref_slice %arg12[%dma_wait3A_22, %dma_wait3A_23, %dma_wait3A_24] : memref<2x512x64xf32, #tpu.memory_space<vmem>> -> memref<1x512x64xf32, #tpu.memory_space<vmem>>
    %dma_wait3A_26 = tpu.memref_squeeze %dma_wait3A_25 : memref<1x512x64xf32, #tpu.memory_space<vmem>> -> memref<512x64xf32, #tpu.memory_space<vmem>>
    %dma_wait3A_27 = arith.constant 0 : i32
    %dma_wait3A_28 = tpu.memref_slice %arg11[%dma_wait3A, %dma_wait3A_27] : memref<4x512xi32, #tpu.memory_space<vmem>> -> memref<1x512xi32, #tpu.memory_space<vmem>>
    %dma_wait3A_29 = tpu.memref_squeeze %dma_wait3A_28 : memref<1x512xi32, #tpu.memory_space<vmem>> -> memref<512xi32, #tpu.memory_space<vmem>>
    %dma_wait3A_30 = arith.constant 0 : i32
    %dma_wait3A_31 = arith.constant 0 : i32
    %dma_wait3A_32 = tpu.memref_slice %arg5[%dma_wait3A_30, %dma_wait3A_31] : memref<65536x64xf32, #tpu.memory_space<hbm>> -> memref<65536x64xf32, #tpu.memory_space<hbm>>
    tpu.wait_indirect_dma semaphore(%arg14 : memref<!tpu.dma_semaphore, #tpu.memory_space<semaphore_mem>>) src(%dma_wait3A_32 : memref<65536x64xf32, #tpu.memory_space<hbm>>) dst(%dma_wait3A_26 : memref<512x64xf32, #tpu.memory_space<vmem>>)
    %dma_wait3A_33 = arith.constant 0 : i32
    %dma_wait3A_34 = arith.constant 0 : i32
    %dma_wait3A_35 = arith.constant 0 : i32
    %dma_wait3A_36 = tpu.memref_slice %arg13[%dma_wait3A_34, %dma_wait3A_35] : memref<2x512xf32, #tpu.memory_space<vmem>> -> memref<1x512xf32, #tpu.memory_space<vmem>>
    %dma_wait3A_37 = tpu.memref_squeeze %dma_wait3A_36 : memref<1x512xf32, #tpu.memory_space<vmem>> -> memref<512xf32, #tpu.memory_space<vmem>>
    %dma_wait3A_38 = arith.constant 0 : i32
    %dma_wait3A_39 = tpu.memref_slice %arg11[%dma_wait3A_33, %dma_wait3A_38] : memref<4x512xi32, #tpu.memory_space<vmem>> -> memref<1x512xi32, #tpu.memory_space<vmem>>
    %dma_wait3A_40 = tpu.memref_squeeze %dma_wait3A_39 : memref<1x512xi32, #tpu.memory_space<vmem>> -> memref<512xi32, #tpu.memory_space<vmem>>
    %dma_wait3A_41 = arith.constant 0 : i32
    %dma_wait3A_42 = tpu.memref_slice %arg4[%dma_wait3A_41] : memref<65536xf32, #tpu.memory_space<hbm>> -> memref<65536xf32, #tpu.memory_space<hbm>>
    tpu.wait_indirect_dma semaphore(%arg15 : memref<!tpu.dma_semaphore, #tpu.memory_space<semaphore_mem>>) src(%dma_wait3A_42 : memref<65536xf32, #tpu.memory_space<hbm>>) dst(%dma_wait3A_37 : memref<512xf32, #tpu.memory_space<vmem>>)
    %dma_start3A_43 = arith.constant 0 : i32
    %dma_start3A_44 = arith.constant 0 : i32
    %dma_start3A_45 = arith.constant 0 : i32
    %dma_start3A_46 = arith.constant 0 : i32
    %dma_start3A_47 = tpu.memref_slice %arg12[%dma_start3A_43, %dma_start3A_45, %dma_start3A_46] : memref<2x512x64xf32, #tpu.memory_space<vmem>> -> memref<1x512x64xf32, #tpu.memory_space<vmem>>
    %dma_start3A_48 = tpu.memref_squeeze %dma_start3A_47 : memref<1x512x64xf32, #tpu.memory_space<vmem>> -> memref<512x64xf32, #tpu.memory_space<vmem>>
    %dma_start3A_49 = arith.constant 0 : i32
    %dma_start3A_50 = tpu.memref_slice %arg10[%dma_start3A_44, %dma_start3A_49] : memref<4x512xi32, #tpu.memory_space<vmem>> -> memref<1x512xi32, #tpu.memory_space<vmem>>
    %dma_start3A_51 = tpu.memref_squeeze %dma_start3A_50 : memref<1x512xi32, #tpu.memory_space<vmem>> -> memref<512xi32, #tpu.memory_space<vmem>>
    %dma_start3A_52 = arith.constant 0 : i32
    %dma_start3A_53 = arith.constant 0 : i32
    %dma_start3A_54 = tpu.memref_slice %arg8[%dma_start3A_52, %dma_start3A_53] : memref<1000000x64xf32, #tpu.memory_space<hbm>> -> memref<1000000x64xf32, #tpu.memory_space<hbm>>
    tpu.enqueue_indirect_dma source(%dma_start3A_48 : memref<512x64xf32, #tpu.memory_space<vmem>>) target(%dma_start3A_54 : memref<1000000x64xf32, #tpu.memory_space<hbm>>) offsets(%dma_start3A_51 : memref<512xi32, #tpu.memory_space<vmem>>) semaphore(%arg16 : memref<!tpu.dma_semaphore, #tpu.memory_space<semaphore_mem>>)
    %dma_start3A_55 = arith.constant 0 : i32
    %dma_start3A_56 = arith.constant 0 : i32
    %dma_start3A_57 = arith.constant 0 : i32
    %dma_start3A_58 = tpu.memref_slice %arg13[%dma_start3A_55, %dma_start3A_57] : memref<2x512xf32, #tpu.memory_space<vmem>> -> memref<1x512xf32, #tpu.memory_space<vmem>>
    %dma_start3A_59 = tpu.memref_squeeze %dma_start3A_58 : memref<1x512xf32, #tpu.memory_space<vmem>> -> memref<512xf32, #tpu.memory_space<vmem>>
    %dma_start3A_60 = arith.constant 0 : i32
    %dma_start3A_61 = tpu.memref_slice %arg10[%dma_start3A_56, %dma_start3A_60] : memref<4x512xi32, #tpu.memory_space<vmem>> -> memref<1x512xi32, #tpu.memory_space<vmem>>
    %dma_start3A_62 = tpu.memref_squeeze %dma_start3A_61 : memref<1x512xi32, #tpu.memory_space<vmem>> -> memref<512xi32, #tpu.memory_space<vmem>>
    %dma_start3A_63 = arith.constant 0 : i32
    %dma_start3A_64 = tpu.memref_slice %arg9[%dma_start3A_63] : memref<1000000xf32, #tpu.memory_space<hbm>> -> memref<1000000xf32, #tpu.memory_space<hbm>>
    tpu.enqueue_indirect_dma source(%dma_start3A_59 : memref<512xf32, #tpu.memory_space<vmem>>) target(%dma_start3A_64 : memref<1000000xf32, #tpu.memory_space<hbm>>) offsets(%dma_start3A_62 : memref<512xi32, #tpu.memory_space<vmem>>) semaphore(%arg17 : memref<!tpu.dma_semaphore, #tpu.memory_space<semaphore_mem>>)
    %dma_start3A_65 = arith.constant 1 : i32
    %dma_start3A_66 = arith.constant 1 : i32
    %dma_start3A_67 = arith.constant 0 : i32
    %dma_start3A_68 = arith.constant 0 : i32
    %dma_start3A_69 = tpu.memref_slice %arg12[%dma_start3A_66, %dma_start3A_67, %dma_start3A_68] : memref<2x512x64xf32, #tpu.memory_space<vmem>> -> memref<1x512x64xf32, #tpu.memory_space<vmem>>
    %dma_start3A_70 = tpu.memref_squeeze %dma_start3A_69 : memref<1x512x64xf32, #tpu.memory_space<vmem>> -> memref<512x64xf32, #tpu.memory_space<vmem>>
    %dma_start3A_71 = arith.constant 0 : i32
    %dma_start3A_72 = tpu.memref_slice %arg11[%dma_start3A_65, %dma_start3A_71] : memref<4x512xi32, #tpu.memory_space<vmem>> -> memref<1x512xi32, #tpu.memory_space<vmem>>
    %dma_start3A_73 = tpu.memref_squeeze %dma_start3A_72 : memref<1x512xi32, #tpu.memory_space<vmem>> -> memref<512xi32, #tpu.memory_space<vmem>>
    %dma_start3A_74 = arith.constant 0 : i32
    %dma_start3A_75 = arith.constant 0 : i32
    %dma_start3A_76 = tpu.memref_slice %arg5[%dma_start3A_74, %dma_start3A_75] : memref<65536x64xf32, #tpu.memory_space<hbm>> -> memref<65536x64xf32, #tpu.memory_space<hbm>>
    tpu.enqueue_indirect_dma source(%dma_start3A_76 : memref<65536x64xf32, #tpu.memory_space<hbm>>) target(%dma_start3A_70 : memref<512x64xf32, #tpu.memory_space<vmem>>) offsets(%dma_start3A_73 : memref<512xi32, #tpu.memory_space<vmem>>) semaphore(%arg14 : memref<!tpu.dma_semaphore, #tpu.memory_space<semaphore_mem>>)
    %dma_start3A_77 = arith.constant 1 : i32
    %dma_start3A_78 = arith.constant 1 : i32
    %dma_start3A_79 = arith.constant 0 : i32
    %dma_start3A_80 = tpu.memref_slice %arg13[%dma_start3A_78, %dma_start3A_79] : memref<2x512xf32, #tpu.memory_space<vmem>> -> memref<1x512xf32, #tpu.memory_space<vmem>>
    %dma_start3A_81 = tpu.memref_squeeze %dma_start3A_80 : memref<1x512xf32, #tpu.memory_space<vmem>> -> memref<512xf32, #tpu.memory_space<vmem>>
    %dma_start3A_82 = arith.constant 0 : i32
    %dma_start3A_83 = tpu.memref_slice %arg11[%dma_start3A_77, %dma_start3A_82] : memref<4x512xi32, #tpu.memory_space<vmem>> -> memref<1x512xi32, #tpu.memory_space<vmem>>
    %dma_start3A_84 = tpu.memref_squeeze %dma_start3A_83 : memref<1x512xi32, #tpu.memory_space<vmem>> -> memref<512xi32, #tpu.memory_space<vmem>>
    %dma_start3A_85 = arith.constant 0 : i32
    %dma_start3A_86 = tpu.memref_slice %arg4[%dma_start3A_85] : memref<65536xf32, #tpu.memory_space<hbm>> -> memref<65536xf32, #tpu.memory_space<hbm>>
    tpu.enqueue_indirect_dma source(%dma_start3A_86 : memref<65536xf32, #tpu.memory_space<hbm>>) target(%dma_start3A_81 : memref<512xf32, #tpu.memory_space<vmem>>) offsets(%dma_start3A_84 : memref<512xi32, #tpu.memory_space<vmem>>) semaphore(%arg15 : memref<!tpu.dma_semaphore, #tpu.memory_space<semaphore_mem>>)
    %dma_wait3A_87 = arith.constant 1 : i32
    %dma_wait3A_88 = arith.constant 1 : i32
    %dma_wait3A_89 = arith.constant 0 : i32
    %dma_wait3A_90 = arith.constant 0 : i32
    %dma_wait3A_91 = tpu.memref_slice %arg12[%dma_wait3A_88, %dma_wait3A_89, %dma_wait3A_90] : memref<2x512x64xf32, #tpu.memory_space<vmem>> -> memref<1x512x64xf32, #tpu.memory_space<vmem>>
    %dma_wait3A_92 = tpu.memref_squeeze %dma_wait3A_91 : memref<1x512x64xf32, #tpu.memory_space<vmem>> -> memref<512x64xf32, #tpu.memory_space<vmem>>
    %dma_wait3A_93 = arith.constant 0 : i32
    %dma_wait3A_94 = tpu.memref_slice %arg11[%dma_wait3A_87, %dma_wait3A_93] : memref<4x512xi32, #tpu.memory_space<vmem>> -> memref<1x512xi32, #tpu.memory_space<vmem>>
    %dma_wait3A_95 = tpu.memref_squeeze %dma_wait3A_94 : memref<1x512xi32, #tpu.memory_space<vmem>> -> memref<512xi32, #tpu.memory_space<vmem>>
    %dma_wait3A_96 = arith.constant 0 : i32
    %dma_wait3A_97 = arith.constant 0 : i32
    %dma_wait3A_98 = tpu.memref_slice %arg5[%dma_wait3A_96, %dma_wait3A_97] : memref<65536x64xf32, #tpu.memory_space<hbm>> -> memref<65536x64xf32, #tpu.memory_space<hbm>>
    tpu.wait_indirect_dma semaphore(%arg14 : memref<!tpu.dma_semaphore, #tpu.memory_space<semaphore_mem>>) src(%dma_wait3A_98 : memref<65536x64xf32, #tpu.memory_space<hbm>>) dst(%dma_wait3A_92 : memref<512x64xf32, #tpu.memory_space<vmem>>)
    %dma_wait3A_99 = arith.constant 1 : i32
    %dma_wait3A_100 = arith.constant 1 : i32
    %dma_wait3A_101 = arith.constant 0 : i32
    %dma_wait3A_102 = tpu.memref_slice %arg13[%dma_wait3A_100, %dma_wait3A_101] : memref<2x512xf32, #tpu.memory_space<vmem>> -> memref<1x512xf32, #tpu.memory_space<vmem>>
    %dma_wait3A_103 = tpu.memref_squeeze %dma_wait3A_102 : memref<1x512xf32, #tpu.memory_space<vmem>> -> memref<512xf32, #tpu.memory_space<vmem>>
    %dma_wait3A_104 = arith.constant 0 : i32
    %dma_wait3A_105 = tpu.memref_slice %arg11[%dma_wait3A_99, %dma_wait3A_104] : memref<4x512xi32, #tpu.memory_space<vmem>> -> memref<1x512xi32, #tpu.memory_space<vmem>>
    %dma_wait3A_106 = tpu.memref_squeeze %dma_wait3A_105 : memref<1x512xi32, #tpu.memory_space<vmem>> -> memref<512xi32, #tpu.memory_space<vmem>>
    %dma_wait3A_107 = arith.constant 0 : i32
    %dma_wait3A_108 = tpu.memref_slice %arg4[%dma_wait3A_107] : memref<65536xf32, #tpu.memory_space<hbm>> -> memref<65536xf32, #tpu.memory_space<hbm>>
    tpu.wait_indirect_dma semaphore(%arg15 : memref<!tpu.dma_semaphore, #tpu.memory_space<semaphore_mem>>) src(%dma_wait3A_108 : memref<65536xf32, #tpu.memory_space<hbm>>) dst(%dma_wait3A_103 : memref<512xf32, #tpu.memory_space<vmem>>)
    %dma_wait3A_109 = arith.constant 0 : i32
    %dma_wait3A_110 = arith.constant 0 : i32
    %dma_wait3A_111 = arith.constant 0 : i32
    %dma_wait3A_112 = arith.constant 0 : i32
    %dma_wait3A_113 = tpu.memref_slice %arg12[%dma_wait3A_109, %dma_wait3A_111, %dma_wait3A_112] : memref<2x512x64xf32, #tpu.memory_space<vmem>> -> memref<1x512x64xf32, #tpu.memory_space<vmem>>
    %dma_wait3A_114 = tpu.memref_squeeze %dma_wait3A_113 : memref<1x512x64xf32, #tpu.memory_space<vmem>> -> memref<512x64xf32, #tpu.memory_space<vmem>>
    %dma_wait3A_115 = arith.constant 0 : i32
    %dma_wait3A_116 = tpu.memref_slice %arg10[%dma_wait3A_110, %dma_wait3A_115] : memref<4x512xi32, #tpu.memory_space<vmem>> -> memref<1x512xi32, #tpu.memory_space<vmem>>
    %dma_wait3A_117 = tpu.memref_squeeze %dma_wait3A_116 : memref<1x512xi32, #tpu.memory_space<vmem>> -> memref<512xi32, #tpu.memory_space<vmem>>
    %dma_wait3A_118 = arith.constant 0 : i32
    %dma_wait3A_119 = arith.constant 0 : i32
    %dma_wait3A_120 = tpu.memref_slice %arg8[%dma_wait3A_118, %dma_wait3A_119] : memref<1000000x64xf32, #tpu.memory_space<hbm>> -> memref<1000000x64xf32, #tpu.memory_space<hbm>>
    tpu.wait_indirect_dma semaphore(%arg16 : memref<!tpu.dma_semaphore, #tpu.memory_space<semaphore_mem>>) src(%dma_wait3A_114 : memref<512x64xf32, #tpu.memory_space<vmem>>) dst(%dma_wait3A_120 : memref<1000000x64xf32, #tpu.memory_space<hbm>>)
    %dma_wait3A_121 = arith.constant 0 : i32
    %dma_wait3A_122 = arith.constant 0 : i32
    %dma_wait3A_123 = arith.constant 0 : i32
    %dma_wait3A_124 = tpu.memref_slice %arg13[%dma_wait3A_121, %dma_wait3A_123] : memref<2x512xf32, #tpu.memory_space<vmem>> -> memref<1x512xf32, #tpu.memory_space<vmem>>
    %dma_wait3A_125 = tpu.memref_squeeze %dma_wait3A_124 : memref<1x512xf32, #tpu.memory_space<vmem>> -> memref<512xf32, #tpu.memory_space<vmem>>
    %dma_wait3A_126 = arith.constant 0 : i32
    %dma_wait3A_127 = tpu.memref_slice %arg10[%dma_wait3A_122, %dma_wait3A_126] : memref<4x512xi32, #tpu.memory_space<vmem>> -> memref<1x512xi32, #tpu.memory_space<vmem>>
    %dma_wait3A_128 = tpu.memref_squeeze %dma_wait3A_127 : memref<1x512xi32, #tpu.memory_space<vmem>> -> memref<512xi32, #tpu.memory_space<vmem>>
    %dma_wait3A_129 = arith.constant 0 : i32
    %dma_wait3A_130 = tpu.memref_slice %arg9[%dma_wait3A_129] : memref<1000000xf32, #tpu.memory_space<hbm>> -> memref<1000000xf32, #tpu.memory_space<hbm>>
    tpu.wait_indirect_dma semaphore(%arg17 : memref<!tpu.dma_semaphore, #tpu.memory_space<semaphore_mem>>) src(%dma_wait3A_125 : memref<512xf32, #tpu.memory_space<vmem>>) dst(%dma_wait3A_130 : memref<1000000xf32, #tpu.memory_space<hbm>>)
    %dma_start3A_131 = arith.constant 1 : i32
    %dma_start3A_132 = arith.constant 1 : i32
    %dma_start3A_133 = arith.constant 0 : i32
    %dma_start3A_134 = arith.constant 0 : i32
    %dma_start3A_135 = tpu.memref_slice %arg12[%dma_start3A_131, %dma_start3A_133, %dma_start3A_134] : memref<2x512x64xf32, #tpu.memory_space<vmem>> -> memref<1x512x64xf32, #tpu.memory_space<vmem>>
    %dma_start3A_136 = tpu.memref_squeeze %dma_start3A_135 : memref<1x512x64xf32, #tpu.memory_space<vmem>> -> memref<512x64xf32, #tpu.memory_space<vmem>>
    %dma_start3A_137 = arith.constant 0 : i32
    %dma_start3A_138 = tpu.memref_slice %arg10[%dma_start3A_132, %dma_start3A_137] : memref<4x512xi32, #tpu.memory_space<vmem>> -> memref<1x512xi32, #tpu.memory_space<vmem>>
    %dma_start3A_139 = tpu.memref_squeeze %dma_start3A_138 : memref<1x512xi32, #tpu.memory_space<vmem>> -> memref<512xi32, #tpu.memory_space<vmem>>
    %dma_start3A_140 = arith.constant 0 : i32
    %dma_start3A_141 = arith.constant 0 : i32
    %dma_start3A_142 = tpu.memref_slice %arg8[%dma_start3A_140, %dma_start3A_141] : memref<1000000x64xf32, #tpu.memory_space<hbm>> -> memref<1000000x64xf32, #tpu.memory_space<hbm>>
    tpu.enqueue_indirect_dma source(%dma_start3A_136 : memref<512x64xf32, #tpu.memory_space<vmem>>) target(%dma_start3A_142 : memref<1000000x64xf32, #tpu.memory_space<hbm>>) offsets(%dma_start3A_139 : memref<512xi32, #tpu.memory_space<vmem>>) semaphore(%arg16 : memref<!tpu.dma_semaphore, #tpu.memory_space<semaphore_mem>>)
    %dma_start3A_143 = arith.constant 1 : i32
    %dma_start3A_144 = arith.constant 1 : i32
    %dma_start3A_145 = arith.constant 0 : i32
    %dma_start3A_146 = tpu.memref_slice %arg13[%dma_start3A_143, %dma_start3A_145] : memref<2x512xf32, #tpu.memory_space<vmem>> -> memref<1x512xf32, #tpu.memory_space<vmem>>
    %dma_start3A_147 = tpu.memref_squeeze %dma_start3A_146 : memref<1x512xf32, #tpu.memory_space<vmem>> -> memref<512xf32, #tpu.memory_space<vmem>>
    %dma_start3A_148 = arith.constant 0 : i32
    %dma_start3A_149 = tpu.memref_slice %arg10[%dma_start3A_144, %dma_start3A_148] : memref<4x512xi32, #tpu.memory_space<vmem>> -> memref<1x512xi32, #tpu.memory_space<vmem>>
    %dma_start3A_150 = tpu.memref_squeeze %dma_start3A_149 : memref<1x512xi32, #tpu.memory_space<vmem>> -> memref<512xi32, #tpu.memory_space<vmem>>
    %dma_start3A_151 = arith.constant 0 : i32
    %dma_start3A_152 = tpu.memref_slice %arg9[%dma_start3A_151] : memref<1000000xf32, #tpu.memory_space<hbm>> -> memref<1000000xf32, #tpu.memory_space<hbm>>
    tpu.enqueue_indirect_dma source(%dma_start3A_147 : memref<512xf32, #tpu.memory_space<vmem>>) target(%dma_start3A_152 : memref<1000000xf32, #tpu.memory_space<hbm>>) offsets(%dma_start3A_150 : memref<512xi32, #tpu.memory_space<vmem>>) semaphore(%arg17 : memref<!tpu.dma_semaphore, #tpu.memory_space<semaphore_mem>>)
    %dma_start3A_153 = arith.constant 2 : i32
    %dma_start3A_154 = arith.constant 0 : i32
    %dma_start3A_155 = arith.constant 0 : i32
    %dma_start3A_156 = arith.constant 0 : i32
    %dma_start3A_157 = tpu.memref_slice %arg12[%dma_start3A_154, %dma_start3A_155, %dma_start3A_156] : memref<2x512x64xf32, #tpu.memory_space<vmem>> -> memref<1x512x64xf32, #tpu.memory_space<vmem>>
    %dma_start3A_158 = tpu.memref_squeeze %dma_start3A_157 : memref<1x512x64xf32, #tpu.memory_space<vmem>> -> memref<512x64xf32, #tpu.memory_space<vmem>>
    %dma_start3A_159 = arith.constant 0 : i32
    %dma_start3A_160 = tpu.memref_slice %arg11[%dma_start3A_153, %dma_start3A_159] : memref<4x512xi32, #tpu.memory_space<vmem>> -> memref<1x512xi32, #tpu.memory_space<vmem>>
    %dma_start3A_161 = tpu.memref_squeeze %dma_start3A_160 : memref<1x512xi32, #tpu.memory_space<vmem>> -> memref<512xi32, #tpu.memory_space<vmem>>
    %dma_start3A_162 = arith.constant 0 : i32
    %dma_start3A_163 = arith.constant 0 : i32
    %dma_start3A_164 = tpu.memref_slice %arg5[%dma_start3A_162, %dma_start3A_163] : memref<65536x64xf32, #tpu.memory_space<hbm>> -> memref<65536x64xf32, #tpu.memory_space<hbm>>
    tpu.enqueue_indirect_dma source(%dma_start3A_164 : memref<65536x64xf32, #tpu.memory_space<hbm>>) target(%dma_start3A_158 : memref<512x64xf32, #tpu.memory_space<vmem>>) offsets(%dma_start3A_161 : memref<512xi32, #tpu.memory_space<vmem>>) semaphore(%arg14 : memref<!tpu.dma_semaphore, #tpu.memory_space<semaphore_mem>>)
    %dma_start3A_165 = arith.constant 2 : i32
    %dma_start3A_166 = arith.constant 0 : i32
    %dma_start3A_167 = arith.constant 0 : i32
    %dma_start3A_168 = tpu.memref_slice %arg13[%dma_start3A_166, %dma_start3A_167] : memref<2x512xf32, #tpu.memory_space<vmem>> -> memref<1x512xf32, #tpu.memory_space<vmem>>
    %dma_start3A_169 = tpu.memref_squeeze %dma_start3A_168 : memref<1x512xf32, #tpu.memory_space<vmem>> -> memref<512xf32, #tpu.memory_space<vmem>>
    %dma_start3A_170 = arith.constant 0 : i32
    %dma_start3A_171 = tpu.memref_slice %arg11[%dma_start3A_165, %dma_start3A_170] : memref<4x512xi32, #tpu.memory_space<vmem>> -> memref<1x512xi32, #tpu.memory_space<vmem>>
    %dma_start3A_172 = tpu.memref_squeeze %dma_start3A_171 : memref<1x512xi32, #tpu.memory_space<vmem>> -> memref<512xi32, #tpu.memory_space<vmem>>
    %dma_start3A_173 = arith.constant 0 : i32
    %dma_start3A_174 = tpu.memref_slice %arg4[%dma_start3A_173] : memref<65536xf32, #tpu.memory_space<hbm>> -> memref<65536xf32, #tpu.memory_space<hbm>>
    tpu.enqueue_indirect_dma source(%dma_start3A_174 : memref<65536xf32, #tpu.memory_space<hbm>>) target(%dma_start3A_169 : memref<512xf32, #tpu.memory_space<vmem>>) offsets(%dma_start3A_172 : memref<512xi32, #tpu.memory_space<vmem>>) semaphore(%arg15 : memref<!tpu.dma_semaphore, #tpu.memory_space<semaphore_mem>>)
    %dma_wait3A_175 = arith.constant 2 : i32
    %dma_wait3A_176 = arith.constant 0 : i32
    %dma_wait3A_177 = arith.constant 0 : i32
    %dma_wait3A_178 = arith.constant 0 : i32
    %dma_wait3A_179 = tpu.memref_slice %arg12[%dma_wait3A_176, %dma_wait3A_177, %dma_wait3A_178] : memref<2x512x64xf32, #tpu.memory_space<vmem>> -> memref<1x512x64xf32, #tpu.memory_space<vmem>>
    %dma_wait3A_180 = tpu.memref_squeeze %dma_wait3A_179 : memref<1x512x64xf32, #tpu.memory_space<vmem>> -> memref<512x64xf32, #tpu.memory_space<vmem>>
    %dma_wait3A_181 = arith.constant 0 : i32
    %dma_wait3A_182 = tpu.memref_slice %arg11[%dma_wait3A_175, %dma_wait3A_181] : memref<4x512xi32, #tpu.memory_space<vmem>> -> memref<1x512xi32, #tpu.memory_space<vmem>>
    %dma_wait3A_183 = tpu.memref_squeeze %dma_wait3A_182 : memref<1x512xi32, #tpu.memory_space<vmem>> -> memref<512xi32, #tpu.memory_space<vmem>>
    %dma_wait3A_184 = arith.constant 0 : i32
    %dma_wait3A_185 = arith.constant 0 : i32
    %dma_wait3A_186 = tpu.memref_slice %arg5[%dma_wait3A_184, %dma_wait3A_185] : memref<65536x64xf32, #tpu.memory_space<hbm>> -> memref<65536x64xf32, #tpu.memory_space<hbm>>
    tpu.wait_indirect_dma semaphore(%arg14 : memref<!tpu.dma_semaphore, #tpu.memory_space<semaphore_mem>>) src(%dma_wait3A_186 : memref<65536x64xf32, #tpu.memory_space<hbm>>) dst(%dma_wait3A_180 : memref<512x64xf32, #tpu.memory_space<vmem>>)
    %dma_wait3A_187 = arith.constant 2 : i32
    %dma_wait3A_188 = arith.constant 0 : i32
    %dma_wait3A_189 = arith.constant 0 : i32
    %dma_wait3A_190 = tpu.memref_slice %arg13[%dma_wait3A_188, %dma_wait3A_189] : memref<2x512xf32, #tpu.memory_space<vmem>> -> memref<1x512xf32, #tpu.memory_space<vmem>>
    %dma_wait3A_191 = tpu.memref_squeeze %dma_wait3A_190 : memref<1x512xf32, #tpu.memory_space<vmem>> -> memref<512xf32, #tpu.memory_space<vmem>>
    %dma_wait3A_192 = arith.constant 0 : i32
    %dma_wait3A_193 = tpu.memref_slice %arg11[%dma_wait3A_187, %dma_wait3A_192] : memref<4x512xi32, #tpu.memory_space<vmem>> -> memref<1x512xi32, #tpu.memory_space<vmem>>
    %dma_wait3A_194 = tpu.memref_squeeze %dma_wait3A_193 : memref<1x512xi32, #tpu.memory_space<vmem>> -> memref<512xi32, #tpu.memory_space<vmem>>
    %dma_wait3A_195 = arith.constant 0 : i32
    %dma_wait3A_196 = tpu.memref_slice %arg4[%dma_wait3A_195] : memref<65536xf32, #tpu.memory_space<hbm>> -> memref<65536xf32, #tpu.memory_space<hbm>>
    tpu.wait_indirect_dma semaphore(%arg15 : memref<!tpu.dma_semaphore, #tpu.memory_space<semaphore_mem>>) src(%dma_wait3A_196 : memref<65536xf32, #tpu.memory_space<hbm>>) dst(%dma_wait3A_191 : memref<512xf32, #tpu.memory_space<vmem>>)
    %dma_wait3A_197 = arith.constant 1 : i32
    %dma_wait3A_198 = arith.constant 1 : i32
    %dma_wait3A_199 = arith.constant 0 : i32
    %dma_wait3A_200 = arith.constant 0 : i32
    %dma_wait3A_201 = tpu.memref_slice %arg12[%dma_wait3A_197, %dma_wait3A_199, %dma_wait3A_200] : memref<2x512x64xf32, #tpu.memory_space<vmem>> -> memref<1x512x64xf32, #tpu.memory_space<vmem>>
    %dma_wait3A_202 = tpu.memref_squeeze %dma_wait3A_201 : memref<1x512x64xf32, #tpu.memory_space<vmem>> -> memref<512x64xf32, #tpu.memory_space<vmem>>
    %dma_wait3A_203 = arith.constant 0 : i32
    %dma_wait3A_204 = tpu.memref_slice %arg10[%dma_wait3A_198, %dma_wait3A_203] : memref<4x512xi32, #tpu.memory_space<vmem>> -> memref<1x512xi32, #tpu.memory_space<vmem>>
    %dma_wait3A_205 = tpu.memref_squeeze %dma_wait3A_204 : memref<1x512xi32, #tpu.memory_space<vmem>> -> memref<512xi32, #tpu.memory_space<vmem>>
    %dma_wait3A_206 = arith.constant 0 : i32
    %dma_wait3A_207 = arith.constant 0 : i32
    %dma_wait3A_208 = tpu.memref_slice %arg8[%dma_wait3A_206, %dma_wait3A_207] : memref<1000000x64xf32, #tpu.memory_space<hbm>> -> memref<1000000x64xf32, #tpu.memory_space<hbm>>
    tpu.wait_indirect_dma semaphore(%arg16 : memref<!tpu.dma_semaphore, #tpu.memory_space<semaphore_mem>>) src(%dma_wait3A_202 : memref<512x64xf32, #tpu.memory_space<vmem>>) dst(%dma_wait3A_208 : memref<1000000x64xf32, #tpu.memory_space<hbm>>)
    %dma_wait3A_209 = arith.constant 1 : i32
    %dma_wait3A_210 = arith.constant 1 : i32
    %dma_wait3A_211 = arith.constant 0 : i32
    %dma_wait3A_212 = tpu.memref_slice %arg13[%dma_wait3A_209, %dma_wait3A_211] : memref<2x512xf32, #tpu.memory_space<vmem>> -> memref<1x512xf32, #tpu.memory_space<vmem>>
    %dma_wait3A_213 = tpu.memref_squeeze %dma_wait3A_212 : memref<1x512xf32, #tpu.memory_space<vmem>> -> memref<512xf32, #tpu.memory_space<vmem>>
    %dma_wait3A_214 = arith.constant 0 : i32
    %dma_wait3A_215 = tpu.memref_slice %arg10[%dma_wait3A_210, %dma_wait3A_214] : memref<4x512xi32, #tpu.memory_space<vmem>> -> memref<1x512xi32, #tpu.memory_space<vmem>>
    %dma_wait3A_216 = tpu.memref_squeeze %dma_wait3A_215 : memref<1x512xi32, #tpu.memory_space<vmem>> -> memref<512xi32, #tpu.memory_space<vmem>>
    %dma_wait3A_217 = arith.constant 0 : i32
    %dma_wait3A_218 = tpu.memref_slice %arg9[%dma_wait3A_217] : memref<1000000xf32, #tpu.memory_space<hbm>> -> memref<1000000xf32, #tpu.memory_space<hbm>>
    tpu.wait_indirect_dma semaphore(%arg17 : memref<!tpu.dma_semaphore, #tpu.memory_space<semaphore_mem>>) src(%dma_wait3A_213 : memref<512xf32, #tpu.memory_space<vmem>>) dst(%dma_wait3A_218 : memref<1000000xf32, #tpu.memory_space<hbm>>)
    %dma_start3A_219 = arith.constant 0 : i32
    %dma_start3A_220 = arith.constant 2 : i32
    %dma_start3A_221 = arith.constant 0 : i32
    %dma_start3A_222 = arith.constant 0 : i32
    %dma_start3A_223 = tpu.memref_slice %arg12[%dma_start3A_219, %dma_start3A_221, %dma_start3A_222] : memref<2x512x64xf32, #tpu.memory_space<vmem>> -> memref<1x512x64xf32, #tpu.memory_space<vmem>>
    %dma_start3A_224 = tpu.memref_squeeze %dma_start3A_223 : memref<1x512x64xf32, #tpu.memory_space<vmem>> -> memref<512x64xf32, #tpu.memory_space<vmem>>
    %dma_start3A_225 = arith.constant 0 : i32
    %dma_start3A_226 = tpu.memref_slice %arg10[%dma_start3A_220, %dma_start3A_225] : memref<4x512xi32, #tpu.memory_space<vmem>> -> memref<1x512xi32, #tpu.memory_space<vmem>>
    %dma_start3A_227 = tpu.memref_squeeze %dma_start3A_226 : memref<1x512xi32, #tpu.memory_space<vmem>> -> memref<512xi32, #tpu.memory_space<vmem>>
    %dma_start3A_228 = arith.constant 0 : i32
    %dma_start3A_229 = arith.constant 0 : i32
    %dma_start3A_230 = tpu.memref_slice %arg8[%dma_start3A_228, %dma_start3A_229] : memref<1000000x64xf32, #tpu.memory_space<hbm>> -> memref<1000000x64xf32, #tpu.memory_space<hbm>>
    tpu.enqueue_indirect_dma source(%dma_start3A_224 : memref<512x64xf32, #tpu.memory_space<vmem>>) target(%dma_start3A_230 : memref<1000000x64xf32, #tpu.memory_space<hbm>>) offsets(%dma_start3A_227 : memref<512xi32, #tpu.memory_space<vmem>>) semaphore(%arg16 : memref<!tpu.dma_semaphore, #tpu.memory_space<semaphore_mem>>)
    %dma_start3A_231 = arith.constant 0 : i32
    %dma_start3A_232 = arith.constant 2 : i32
    %dma_start3A_233 = arith.constant 0 : i32
    %dma_start3A_234 = tpu.memref_slice %arg13[%dma_start3A_231, %dma_start3A_233] : memref<2x512xf32, #tpu.memory_space<vmem>> -> memref<1x512xf32, #tpu.memory_space<vmem>>
    %dma_start3A_235 = tpu.memref_squeeze %dma_start3A_234 : memref<1x512xf32, #tpu.memory_space<vmem>> -> memref<512xf32, #tpu.memory_space<vmem>>
    %dma_start3A_236 = arith.constant 0 : i32
    %dma_start3A_237 = tpu.memref_slice %arg10[%dma_start3A_232, %dma_start3A_236] : memref<4x512xi32, #tpu.memory_space<vmem>> -> memref<1x512xi32, #tpu.memory_space<vmem>>
    %dma_start3A_238 = tpu.memref_squeeze %dma_start3A_237 : memref<1x512xi32, #tpu.memory_space<vmem>> -> memref<512xi32, #tpu.memory_space<vmem>>
    %dma_start3A_239 = arith.constant 0 : i32
    %dma_start3A_240 = tpu.memref_slice %arg9[%dma_start3A_239] : memref<1000000xf32, #tpu.memory_space<hbm>> -> memref<1000000xf32, #tpu.memory_space<hbm>>
    tpu.enqueue_indirect_dma source(%dma_start3A_235 : memref<512xf32, #tpu.memory_space<vmem>>) target(%dma_start3A_240 : memref<1000000xf32, #tpu.memory_space<hbm>>) offsets(%dma_start3A_238 : memref<512xi32, #tpu.memory_space<vmem>>) semaphore(%arg17 : memref<!tpu.dma_semaphore, #tpu.memory_space<semaphore_mem>>)
    %dma_start3A_241 = arith.constant 3 : i32
    %dma_start3A_242 = arith.constant 1 : i32
    %dma_start3A_243 = arith.constant 0 : i32
    %dma_start3A_244 = arith.constant 0 : i32
    %dma_start3A_245 = tpu.memref_slice %arg12[%dma_start3A_242, %dma_start3A_243, %dma_start3A_244] : memref<2x512x64xf32, #tpu.memory_space<vmem>> -> memref<1x512x64xf32, #tpu.memory_space<vmem>>
    %dma_start3A_246 = tpu.memref_squeeze %dma_start3A_245 : memref<1x512x64xf32, #tpu.memory_space<vmem>> -> memref<512x64xf32, #tpu.memory_space<vmem>>
    %dma_start3A_247 = arith.constant 0 : i32
    %dma_start3A_248 = tpu.memref_slice %arg11[%dma_start3A_241, %dma_start3A_247] : memref<4x512xi32, #tpu.memory_space<vmem>> -> memref<1x512xi32, #tpu.memory_space<vmem>>
    %dma_start3A_249 = tpu.memref_squeeze %dma_start3A_248 : memref<1x512xi32, #tpu.memory_space<vmem>> -> memref<512xi32, #tpu.memory_space<vmem>>
    %dma_start3A_250 = arith.constant 0 : i32
    %dma_start3A_251 = arith.constant 0 : i32
    %dma_start3A_252 = tpu.memref_slice %arg5[%dma_start3A_250, %dma_start3A_251] : memref<65536x64xf32, #tpu.memory_space<hbm>> -> memref<65536x64xf32, #tpu.memory_space<hbm>>
    tpu.enqueue_indirect_dma source(%dma_start3A_252 : memref<65536x64xf32, #tpu.memory_space<hbm>>) target(%dma_start3A_246 : memref<512x64xf32, #tpu.memory_space<vmem>>) offsets(%dma_start3A_249 : memref<512xi32, #tpu.memory_space<vmem>>) semaphore(%arg14 : memref<!tpu.dma_semaphore, #tpu.memory_space<semaphore_mem>>)
    %dma_start3A_253 = arith.constant 3 : i32
    %dma_start3A_254 = arith.constant 1 : i32
    %dma_start3A_255 = arith.constant 0 : i32
    %dma_start3A_256 = tpu.memref_slice %arg13[%dma_start3A_254, %dma_start3A_255] : memref<2x512xf32, #tpu.memory_space<vmem>> -> memref<1x512xf32, #tpu.memory_space<vmem>>
    %dma_start3A_257 = tpu.memref_squeeze %dma_start3A_256 : memref<1x512xf32, #tpu.memory_space<vmem>> -> memref<512xf32, #tpu.memory_space<vmem>>
    %dma_start3A_258 = arith.constant 0 : i32
    %dma_start3A_259 = tpu.memref_slice %arg11[%dma_start3A_253, %dma_start3A_258] : memref<4x512xi32, #tpu.memory_space<vmem>> -> memref<1x512xi32, #tpu.memory_space<vmem>>
    %dma_start3A_260 = tpu.memref_squeeze %dma_start3A_259 : memref<1x512xi32, #tpu.memory_space<vmem>> -> memref<512xi32, #tpu.memory_space<vmem>>
    %dma_start3A_261 = arith.constant 0 : i32
    %dma_start3A_262 = tpu.memref_slice %arg4[%dma_start3A_261] : memref<65536xf32, #tpu.memory_space<hbm>> -> memref<65536xf32, #tpu.memory_space<hbm>>
    tpu.enqueue_indirect_dma source(%dma_start3A_262 : memref<65536xf32, #tpu.memory_space<hbm>>) target(%dma_start3A_257 : memref<512xf32, #tpu.memory_space<vmem>>) offsets(%dma_start3A_260 : memref<512xi32, #tpu.memory_space<vmem>>) semaphore(%arg15 : memref<!tpu.dma_semaphore, #tpu.memory_space<semaphore_mem>>)
    %dma_wait3A_263 = arith.constant 3 : i32
    %dma_wait3A_264 = arith.constant 1 : i32
    %dma_wait3A_265 = arith.constant 0 : i32
    %dma_wait3A_266 = arith.constant 0 : i32
    %dma_wait3A_267 = tpu.memref_slice %arg12[%dma_wait3A_264, %dma_wait3A_265, %dma_wait3A_266] : memref<2x512x64xf32, #tpu.memory_space<vmem>> -> memref<1x512x64xf32, #tpu.memory_space<vmem>>
    %dma_wait3A_268 = tpu.memref_squeeze %dma_wait3A_267 : memref<1x512x64xf32, #tpu.memory_space<vmem>> -> memref<512x64xf32, #tpu.memory_space<vmem>>
    %dma_wait3A_269 = arith.constant 0 : i32
    %dma_wait3A_270 = tpu.memref_slice %arg11[%dma_wait3A_263, %dma_wait3A_269] : memref<4x512xi32, #tpu.memory_space<vmem>> -> memref<1x512xi32, #tpu.memory_space<vmem>>
    %dma_wait3A_271 = tpu.memref_squeeze %dma_wait3A_270 : memref<1x512xi32, #tpu.memory_space<vmem>> -> memref<512xi32, #tpu.memory_space<vmem>>
    %dma_wait3A_272 = arith.constant 0 : i32
    %dma_wait3A_273 = arith.constant 0 : i32
    %dma_wait3A_274 = tpu.memref_slice %arg5[%dma_wait3A_272, %dma_wait3A_273] : memref<65536x64xf32, #tpu.memory_space<hbm>> -> memref<65536x64xf32, #tpu.memory_space<hbm>>
    tpu.wait_indirect_dma semaphore(%arg14 : memref<!tpu.dma_semaphore, #tpu.memory_space<semaphore_mem>>) src(%dma_wait3A_274 : memref<65536x64xf32, #tpu.memory_space<hbm>>) dst(%dma_wait3A_268 : memref<512x64xf32, #tpu.memory_space<vmem>>)
    %dma_wait3A_275 = arith.constant 3 : i32
    %dma_wait3A_276 = arith.constant 1 : i32
    %dma_wait3A_277 = arith.constant 0 : i32
    %dma_wait3A_278 = tpu.memref_slice %arg13[%dma_wait3A_276, %dma_wait3A_277] : memref<2x512xf32, #tpu.memory_space<vmem>> -> memref<1x512xf32, #tpu.memory_space<vmem>>
    %dma_wait3A_279 = tpu.memref_squeeze %dma_wait3A_278 : memref<1x512xf32, #tpu.memory_space<vmem>> -> memref<512xf32, #tpu.memory_space<vmem>>
    %dma_wait3A_280 = arith.constant 0 : i32
    %dma_wait3A_281 = tpu.memref_slice %arg11[%dma_wait3A_275, %dma_wait3A_280] : memref<4x512xi32, #tpu.memory_space<vmem>> -> memref<1x512xi32, #tpu.memory_space<vmem>>
    %dma_wait3A_282 = tpu.memref_squeeze %dma_wait3A_281 : memref<1x512xi32, #tpu.memory_space<vmem>> -> memref<512xi32, #tpu.memory_space<vmem>>
    %dma_wait3A_283 = arith.constant 0 : i32
    %dma_wait3A_284 = tpu.memref_slice %arg4[%dma_wait3A_283] : memref<65536xf32, #tpu.memory_space<hbm>> -> memref<65536xf32, #tpu.memory_space<hbm>>
    tpu.wait_indirect_dma semaphore(%arg15 : memref<!tpu.dma_semaphore, #tpu.memory_space<semaphore_mem>>) src(%dma_wait3A_284 : memref<65536xf32, #tpu.memory_space<hbm>>) dst(%dma_wait3A_279 : memref<512xf32, #tpu.memory_space<vmem>>)
    %dma_start3A_285 = arith.constant 1 : i32
    %dma_start3A_286 = arith.constant 3 : i32
    %dma_start3A_287 = arith.constant 0 : i32
    %dma_start3A_288 = arith.constant 0 : i32
    %dma_start3A_289 = tpu.memref_slice %arg12[%dma_start3A_285, %dma_start3A_287, %dma_start3A_288] : memref<2x512x64xf32, #tpu.memory_space<vmem>> -> memref<1x512x64xf32, #tpu.memory_space<vmem>>
    %dma_start3A_290 = tpu.memref_squeeze %dma_start3A_289 : memref<1x512x64xf32, #tpu.memory_space<vmem>> -> memref<512x64xf32, #tpu.memory_space<vmem>>
    %dma_start3A_291 = arith.constant 0 : i32
    %dma_start3A_292 = tpu.memref_slice %arg10[%dma_start3A_286, %dma_start3A_291] : memref<4x512xi32, #tpu.memory_space<vmem>> -> memref<1x512xi32, #tpu.memory_space<vmem>>
    %dma_start3A_293 = tpu.memref_squeeze %dma_start3A_292 : memref<1x512xi32, #tpu.memory_space<vmem>> -> memref<512xi32, #tpu.memory_space<vmem>>
    %dma_start3A_294 = arith.constant 0 : i32
    %dma_start3A_295 = arith.constant 0 : i32
    %dma_start3A_296 = tpu.memref_slice %arg8[%dma_start3A_294, %dma_start3A_295] : memref<1000000x64xf32, #tpu.memory_space<hbm>> -> memref<1000000x64xf32, #tpu.memory_space<hbm>>
    tpu.enqueue_indirect_dma source(%dma_start3A_290 : memref<512x64xf32, #tpu.memory_space<vmem>>) target(%dma_start3A_296 : memref<1000000x64xf32, #tpu.memory_space<hbm>>) offsets(%dma_start3A_293 : memref<512xi32, #tpu.memory_space<vmem>>) semaphore(%arg16 : memref<!tpu.dma_semaphore, #tpu.memory_space<semaphore_mem>>)
    %dma_start3A_297 = arith.constant 1 : i32
    %dma_start3A_298 = arith.constant 3 : i32
    %dma_start3A_299 = arith.constant 0 : i32
    %dma_start3A_300 = tpu.memref_slice %arg13[%dma_start3A_297, %dma_start3A_299] : memref<2x512xf32, #tpu.memory_space<vmem>> -> memref<1x512xf32, #tpu.memory_space<vmem>>
    %dma_start3A_301 = tpu.memref_squeeze %dma_start3A_300 : memref<1x512xf32, #tpu.memory_space<vmem>> -> memref<512xf32, #tpu.memory_space<vmem>>
    %dma_start3A_302 = arith.constant 0 : i32
    %dma_start3A_303 = tpu.memref_slice %arg10[%dma_start3A_298, %dma_start3A_302] : memref<4x512xi32, #tpu.memory_space<vmem>> -> memref<1x512xi32, #tpu.memory_space<vmem>>
    %dma_start3A_304 = tpu.memref_squeeze %dma_start3A_303 : memref<1x512xi32, #tpu.memory_space<vmem>> -> memref<512xi32, #tpu.memory_space<vmem>>
    %dma_start3A_305 = arith.constant 0 : i32
    %dma_start3A_306 = tpu.memref_slice %arg9[%dma_start3A_305] : memref<1000000xf32, #tpu.memory_space<hbm>> -> memref<1000000xf32, #tpu.memory_space<hbm>>
    tpu.enqueue_indirect_dma source(%dma_start3A_301 : memref<512xf32, #tpu.memory_space<vmem>>) target(%dma_start3A_306 : memref<1000000xf32, #tpu.memory_space<hbm>>) offsets(%dma_start3A_304 : memref<512xi32, #tpu.memory_space<vmem>>) semaphore(%arg17 : memref<!tpu.dma_semaphore, #tpu.memory_space<semaphore_mem>>)
    %dma_wait3A_307 = arith.constant 1 : i32
    %dma_wait3A_308 = arith.constant 3 : i32
    %dma_wait3A_309 = arith.constant 0 : i32
    %dma_wait3A_310 = arith.constant 0 : i32
    %dma_wait3A_311 = tpu.memref_slice %arg12[%dma_wait3A_307, %dma_wait3A_309, %dma_wait3A_310] : memref<2x512x64xf32, #tpu.memory_space<vmem>> -> memref<1x512x64xf32, #tpu.memory_space<vmem>>
    %dma_wait3A_312 = tpu.memref_squeeze %dma_wait3A_311 : memref<1x512x64xf32, #tpu.memory_space<vmem>> -> memref<512x64xf32, #tpu.memory_space<vmem>>
    %dma_wait3A_313 = arith.constant 0 : i32
    %dma_wait3A_314 = tpu.memref_slice %arg10[%dma_wait3A_308, %dma_wait3A_313] : memref<4x512xi32, #tpu.memory_space<vmem>> -> memref<1x512xi32, #tpu.memory_space<vmem>>
    %dma_wait3A_315 = tpu.memref_squeeze %dma_wait3A_314 : memref<1x512xi32, #tpu.memory_space<vmem>> -> memref<512xi32, #tpu.memory_space<vmem>>
    %dma_wait3A_316 = arith.constant 0 : i32
    %dma_wait3A_317 = arith.constant 0 : i32
    %dma_wait3A_318 = tpu.memref_slice %arg8[%dma_wait3A_316, %dma_wait3A_317] : memref<1000000x64xf32, #tpu.memory_space<hbm>> -> memref<1000000x64xf32, #tpu.memory_space<hbm>>
    tpu.wait_indirect_dma semaphore(%arg16 : memref<!tpu.dma_semaphore, #tpu.memory_space<semaphore_mem>>) src(%dma_wait3A_312 : memref<512x64xf32, #tpu.memory_space<vmem>>) dst(%dma_wait3A_318 : memref<1000000x64xf32, #tpu.memory_space<hbm>>)
    %dma_wait3A_319 = arith.constant 1 : i32
    %dma_wait3A_320 = arith.constant 3 : i32
    %dma_wait3A_321 = arith.constant 0 : i32
    %dma_wait3A_322 = tpu.memref_slice %arg13[%dma_wait3A_319, %dma_wait3A_321] : memref<2x512xf32, #tpu.memory_space<vmem>> -> memref<1x512xf32, #tpu.memory_space<vmem>>
    %dma_wait3A_323 = tpu.memref_squeeze %dma_wait3A_322 : memref<1x512xf32, #tpu.memory_space<vmem>> -> memref<512xf32, #tpu.memory_space<vmem>>
    %dma_wait3A_324 = arith.constant 0 : i32
    %dma_wait3A_325 = tpu.memref_slice %arg10[%dma_wait3A_320, %dma_wait3A_324] : memref<4x512xi32, #tpu.memory_space<vmem>> -> memref<1x512xi32, #tpu.memory_space<vmem>>
    %dma_wait3A_326 = tpu.memref_squeeze %dma_wait3A_325 : memref<1x512xi32, #tpu.memory_space<vmem>> -> memref<512xi32, #tpu.memory_space<vmem>>
    %dma_wait3A_327 = arith.constant 0 : i32
    %dma_wait3A_328 = tpu.memref_slice %arg9[%dma_wait3A_327] : memref<1000000xf32, #tpu.memory_space<hbm>> -> memref<1000000xf32, #tpu.memory_space<hbm>>
    tpu.wait_indirect_dma semaphore(%arg17 : memref<!tpu.dma_semaphore, #tpu.memory_space<semaphore_mem>>) src(%dma_wait3A_323 : memref<512xf32, #tpu.memory_space<vmem>>) dst(%dma_wait3A_328 : memref<1000000xf32, #tpu.memory_space<hbm>>)
    return
  }
}

module attributes {stable_mosaic.version = 14 : i64} {
  func.func @_matmul_body(%arg0: i32, %arg1: memref<1024x256xf32, #tpu.memory_space<vmem>>, %arg2: memref<256x128xf32, #tpu.memory_space<vmem>>, %arg3: memref<1x128xf32, #tpu.memory_space<vmem>>, %arg4: memref<1024x128xf32, #tpu.memory_space<vmem>>) attributes {dimension_semantics = [#tpu.dimension_semantics<arbitrary>], iteration_bounds = array<i64: 32>, scalar_prefetch = 0 : i64, scratch_operands = 0 : i64, tpu.core_type = #tpu.core_type<tc>, window_params = [{transform_indices = @transform_0, window_bounds = array<i64: 1024, 256>}, {pipeline_mode = #tpu.pipeline_mode<synchronous>, transform_indices = @transform_1, window_bounds = array<i64: 256, 128>}, {pipeline_mode = #tpu.pipeline_mode<synchronous>, transform_indices = @transform_2, window_bounds = array<i64: 1, 128>}, {transform_indices = @transform_3, window_bounds = array<i64: 1024, 128>}]} {
    %get3A = arith.constant 0 : index
    %get3A_0 = arith.constant 0 : index
    %get3A_1 = vector.load %arg1[%get3A, %get3A_0] : memref<1024x256xf32, #tpu.memory_space<vmem>>, vector<1024x256xf32>
    %get3A_2 = arith.constant 0 : index
    %get3A_3 = arith.constant 0 : index
    %get3A_4 = vector.load %arg2[%get3A_2, %get3A_3] : memref<256x128xf32, #tpu.memory_space<vmem>>, vector<256x128xf32>
    %dot_general3A = arith.constant dense<0.000000e+00> : vector<1024x128xf32>
    %dot_general3A_5 = tpu.matmul %get3A_1, %get3A_4, %dot_general3A {dimension_numbers = #tpu.dot_dimension_numbers<[1], [0], [0], [1], [0, 0, 1, 1], [], []>, transpose_lhs_hint = false} : vector<1024x256xf32>, vector<256x128xf32>, vector<1024x128xf32> -> vector<1024x128xf32>
    %get3A_6 = arith.constant 0 : index
    %get3A_7 = arith.constant 0 : index
    %get3A_8 = vector.load %arg3[%get3A_6, %get3A_7] : memref<1x128xf32, #tpu.memory_space<vmem>>, vector<1x128xf32>
    %add3A = vector.broadcast %get3A_8 : vector<1x128xf32> to vector<1024x128xf32>
    %add3A_9 = arith.addf %dot_general3A_5, %add3A : vector<1024x128xf32>
    %swap3A = arith.constant 0 : index
    %swap3A_10 = arith.constant 0 : index
    %swap3A_11 = vector.load %arg4[%swap3A, %swap3A_10] : memref<1024x128xf32, #tpu.memory_space<vmem>>, vector<1024x128xf32>
    tpu.vector_store %arg4[%swap3A, %swap3A_10], %add3A_9 {strides = array<i32>} : memref<1024x128xf32, #tpu.memory_space<vmem>>, vector<1024x128xf32>,
    return
  }
  func.func @transform_0(%arg0: i32) -> (i32, i32) {
    %c0_i32 = arith.constant 0 : i32
    %c0_i32_0 = arith.constant 0 : i32
    return %arg0, %c0_i32 : i32, i32
  }
  func.func @transform_1(%arg0: i32) -> (i32, i32) {
    %c0_i32 = arith.constant 0 : i32
    %c0_i32_0 = arith.constant 0 : i32
    %c0_i32_1 = arith.constant 0 : i32
    return %c0_i32, %c0_i32_0 : i32, i32
  }
  func.func @transform_2(%arg0: i32) -> (i32, i32) {
    %c0_i32 = arith.constant 0 : i32
    %c0_i32_0 = arith.constant 0 : i32
    %c0_i32_1 = arith.constant 0 : i32
    return %c0_i32, %c0_i32_0 : i32, i32
  }
  func.func @transform_3(%arg0: i32) -> (i32, i32) {
    %c0_i32 = arith.constant 0 : i32
    %c0_i32_0 = arith.constant 0 : i32
    return %arg0, %c0_i32 : i32, i32
  }
}

</mosaic_0001>

<sc_bundles>
// kernel: kernel.4.cloned.1.call-start
scs
__scs_entry_jumppad:
0x0: {  	(pc) =	sbr.rel $0x88, $3  }
0x1: {  	(tag) =	ssettag $0x0;
	lr =	simm.s32 $0x1  }
0x2: {  	[smem:$0x3F9A] =	sst lr;
	_ =	strace $0xD0000000  }
0x3: {  	_ = 	snop  }
0x4: {  	_ = 	snop  }
0x5: {  	_ = 	snop  }
0x6: {  	_ = 	snop  }
0x7: {  	_ = 	snop  }
__scs_overlays_trampoline_lowered:
0x8: {  	[smem:$0x3FA9] =	sst s0  }
0x9: {  	[smem:$0x3FAA] =	sst s1  }
0xa: {  	[smem:$0x3FAB] =	sst s2  }
0xb: {  	[smem:$0x3FAC] =	sst s3  }
0xc: {  	[smem:$0x3FAD] =	sst s4  }
0xd: {  	[smem:$0x3FAE] =	sst s5  }
0xe: {  	[smem:$0x3FAF] =	sst s6  }
0xf: {  	[smem:$0x3FB0] =	sst s7  }
0x10: {  	[smem:$0x3FB1] =	sst s8  }
0x11: {  	[smem:$0x3FB2] =	sst s9;
	s0 =	simm.s32 @!p0 $0x0  }
0x12: {  	s1 =	sld [smem:$0x3F98];
	s0 =	simm.s32 @p0 $0x1  }
0x13: {  	[smem:$0x3FB3] =	sst s0;
	s0 =	simm.s32 @!p1 $0x0  }
0x14: {  	s2 =	sld [smem:$0x3F97];
	s0 =	simm.s32 @p1 $0x1  }
0x15: {  	[smem:$0x3FB4] =	sst s0;
	s0 =	simm.s32 @!p2 $0x0  }
0x16: {  	s3 =	sld [smem:$0x3FDB];
	s0 =	simm.s32 @p2 $0x1  }
0x17: {  	s4 =	simm.s32 $0x1BF5;
	[smem:$0x3FB6] =	sst s0  }
0x18: {  	s0 =	sld [smem:$0x3F99];
	_ =	swait.ge [sflag:s4], $0x0  }
0x19: {  	s7 =	sld [smem:$0x3F9A]  }
0x1a: {  	s8 =	sadd.s32 $0xFFFFE003, lr  }
0x1b: {  	s9 =	sadd.s32 $0xFFFFFEF7, lr;
	s5 =	simm.s32 $0xFFFFFFFF;
	p2 =	slt.u32 s8, $0xFFFFF086  }
0x1c: {  	p1 =	slt.u32 s9, $0xF7A;
	s5 =	simm.s32 @!p2 $0x0  }
0x1d: {  	s5 =	simm.s32 @p1 $0x1;
	p0 =	seq.s32 s7, s2  }
0x1e: {  	s7 =	smul.u32 @!p0 $0xF7A, s2;
	p2 =	seq.s32 @!p0 s5, $0x0  }
0x1f: {  	s9 =	smul.u32 $0xF7A, s1;
	s8 =	simm.s32 @!p0 $0x1BF5;
	p2 =	por !p2, p0  }
0x20: {  	[sflag:s8] =	ssyncset.s32 @!p0 $0xFFFFF086;
	s6 =	sadd.s32 @!p0 s3, s7;
	s7 =	simm.s32 @!p0 $0x108  }
0x21: {  	s3 =	sadd.s32 s3, s9;
	s6 =	sadd.s32 @!p0 $0x88, s6;
	s7 =	simm.s32 @p2 $0x1082  }
0x22: {  	[simem:s7], [sflag:s8] =	dma.local @!p0 [hbm:s6], $0xF7A  }
0x23: {  	s9 =	sor.u32 $0xD0000000, s2;
	s6 =	simm.s32 $0x108;
	_ =	swait.ge @!p0 [sflag:s8], $0x0  }
0x24: {  	s3 =	sadd.s32 $0x88, s3;
	s6 =	simm.s32 @!p1 $0x1082;
	[sflag:s4] =	ssyncset.s32 $0xFFFFF086  }
0x25: {  	[simem:s6], [sflag:s4] =	dma.local [hbm:s3], $0xF7A  }
0x26: {  	[smem:$0x3F9A] =	sst s1;
	(tag) =	ssettag s2;
	_ =	strace s9  }
0x27: {  	s1 =	sld [smem:$0x3FAA]  }
0x28: {  	s2 =	sld [smem:$0x3FAB]  }
0x29: {  	s4 =	sld [smem:$0x3FAD]  }
0x2a: {  	p0 =	seq.s32 s5, $0x0;
	s5 =	sld [smem:$0x3FAE]  }
0x2b: {  	s6 =	sld [smem:$0x3FAF]  }
0x2c: {  	s7 =	sld [smem:$0x3FB0]  }
0x2d: {  	s3 =	simm.s32 $0x108;
	s8 =	sld [smem:$0x3FB1]  }
0x2e: {  	s3 =	simm.s32 @!p0 $0x1082;
	s9 =	sld [smem:$0x3FB2]  }
0x2f: {  	lr =	sadd.s32 s0, s3;
	s0 =	sld [smem:$0x3FA9]  }
0x30: {  	s3 =	sld [smem:$0x3FAC]  }
0x31: {  	[smem:$0x3FB5] =	sst s10  }
0x32: {  	s10 =	sld [smem:$0x3FB3];
	_ =	sdelay $0x3  }
0x33: {  	p0 =	seq.s32 s10, $0x1;
	s10 =	sld [smem:$0x3FB5];
	_ =	sdelay $0x3  }
0x34: {  	[smem:$0x3FB5] =	sst s10  }
0x35: {  	s10 =	sld [smem:$0x3FB4];
	_ =	sdelay $0x3  }
0x36: {  	p1 =	seq.s32 s10, $0x1;
	s10 =	sld [smem:$0x3FB5];
	_ =	sdelay $0x3  }
0x37: {  	[smem:$0x3FB5] =	sst s10  }
0x38: {  	s10 =	sld [smem:$0x3FB6]  }
0x39: {  	_ = 	snop;
	(pc) =	sbr.ind lr, $3  }
0x3a: {  	_ = 	snop  }
0x3b: {  	_ = 	snop  }
0x3c: {  	p2 =	seq.s32 s10, $0x1;
	s10 =	sld [smem:$0x3FB5]  }
0x3d: {  	_ =	shalt  }
0x3e: {  	_ =	shalt  }
0x3f: {  	_ =	shalt  }
0x40: {  	_ =	shalt  }
0x41: {  	_ =	shalt  }
0x42: {  	_ =	shalt  }
0x43: {  	_ =	shalt  }
0x44: {  	_ =	shalt  }
0x45: {  	_ =	shalt  }
0x46: {  	_ =	shalt  }
0x47: {  	_ =	shalt  }
0x48: {  	_ =	shalt  }
0x49: {  	_ =	shalt  }
0x4a: {  	_ =	shalt  }
0x4b: {  	_ =	shalt  }
0x4c: {  	_ =	shalt  }
0x4d: {  	_ =	shalt  }
0x4e: {  	_ =	shalt  }
0x4f: {  	_ =	shalt  }
0x50: {  	_ =	shalt  }
0x51: {  	_ =	shalt  }
0x52: {  	_ =	shalt  }
0x53: {  	_ =	shalt  }
0x54: {  	_ =	shalt  }
0x55: {  	_ =	shalt  }
0x56: {  	_ =	shalt  }
0x57: {  	_ =	shalt  }
0x58: {  	_ =	shalt  }
0x59: {  	_ =	shalt  }
0x5a: {  	_ =	shalt  }
0x5b: {  	_ =	shalt  }
0x5c: {  	_ =	shalt  }
0x5d: {  	_ =	shalt  }
0x5e: {  	_ =	shalt  }
0x5f: {  	_ =	shalt  }
0x60: {  	_ =	shalt  }
0x61: {  	_ =	shalt  }
0x62: {  	_ =	shalt  }
0x63: {  	_ =	shalt  }
0x64: {  	_ =	shalt  }
0x65: {  	_ =	shalt  }
0x66: {  	_ =	shalt  }
0x67: {  	_ =	shalt  }
0x68: {  	_ =	shalt  }
0x69: {  	_ =	shalt  }
0x6a: {  	_ =	shalt  }
0x6b: {  	_ =	shalt  }
0x6c: {  	_ =	shalt  }
0x6d: {  	_ =	shalt  }
0x6e: {  	_ =	shalt  }
0x6f: {  	_ =	shalt  }
0x70: {  	_ =	shalt  }
0x71: {  	_ =	shalt  }
0x72: {  	_ =	shalt  }
0x73: {  	_ =	shalt  }
0x74: {  	_ =	shalt  }
0x75: {  	_ =	shalt  }
0x76: {  	_ =	shalt  }
0x77: {  	_ =	shalt  }
0x78: {  	_ =	shalt  }
0x79: {  	_ =	shalt  }
0x7a: {  	_ =	shalt  }
0x7b: {  	_ =	shalt  }
0x7c: {  	_ =	shalt  }
0x7d: {  	_ =	shalt  }
0x7e: {  	_ =	shalt  }
0x7f: {  	_ =	shalt  }
0x80: {  	_ =	shalt  }
0x81: {  	_ =	shalt  }
0x82: {  	_ =	shalt  }
0x83: {  	_ =	shalt  }
0x84: {  	_ =	shalt  }
0x85: {  	_ =	shalt  }
0x86: {  	_ =	shalt  }
0x87: {  	_ =	shalt  }
.Lfunc_end0:
.L_simem_size_0:
called_computation.1_lowered:
.L_overlay_start_0:
0x88: {  	s2 =	sld [smem:$0x3FD9]  }
0x89: {  	s3 =	sld [smem:$0x3FFE];
	_ =	sdelay $0x1  }
0x8a: {  	s1 =	srdreg.scid  }
0x8b: {  	s0 =	sand.u32 $0x1, s1  }
0x8c: {  	s14 =	sshll.u32 s0, $0xA;
	s2 =	sadd.s32 s3, s2  }
0x8d: {  	s2 =	sadd.s32 s2, s14  }
0x8e: {  	[smem:$0x3FC1] =	sst s2  }
0x8f: {  	_ = 	snop  }
0x90: {  	s2 =	sld [smem:$0x3FD0];
	_ =	sdelay $0x1  }
0x91: {  	s15 =	sld [smem:$0x3FC9]  }
0x92: {  	s5 =	simm.s32 $0xA;
	s6 =	simm.s32 $0x10;
	s4 =	sld [smem:$0x3FC7]  }
0x93: {  	[smem:s6], [sflag:s5] =	dma.local [hbm:s2], $0x1  }
0x94: {  	_ =	swait.eq [sflag:s5], $0x1  }
0x95: {  	[sflag:s5] =	ssyncset.done $0x0  }
0x96: {  	s16 =	sld [smem:$0x10];
	[sflag:s5] =	ssyncadd.s32 $0xFFFFFFFF  }
0x97: {  	s17 =	sld [smem:$0x11];
	(tm) =	ssettm $0x1  }
0x98: {  	s18 =	sld [smem:$0x3FFB];
	_ =	sdelay $0x3  }
0x99: {  	_ =	strace s18  }
0x9a: {  	s6 =	sld [smem:$0x3FFC];
	_ =	sdelay $0x3  }
0x9b: {  	_ =	strace s6  }
0x9c: {  	s6 =	sld [smem:$0x3FFD];
	_ =	sdelay $0x3  }
0x9d: {  	_ =	strace s6  }
0x9e: {  	_ =	strace $0x8FFFFFFF  }
0x9f: {  	s19 =	sld [smem:$0x3FDB];
	_ =	sdelay $0x1  }
0xa0: {  	s7 =	simm.s32 $_scs_section_size  }
0xa1: {  	s8 =	simm.s32 $_size__tile_overlayer_lowered;
	s9 =	simm.s32 $_tile_overlayer_lowered  }
0xa2: {  	s22 =	simm.s32 $0x1BFF;
	s21 =	sshll.u32 s9, $0x1;
	s6 =	sadd.s32 s7, s19  }
0xa3: {  	s10 =	simm.s32 $0x0;
	s20 =	sshll.u32 s8, $0x1;
	s8 =	sadd.s32 s21, s6  }
0xa4: {  	[timem:s10], [sflag:s22] =	dma.local [hbm:s8], s20  }
0xa5: {  	_ =	swait.ge [sflag:s22], s20  }
0xa6: {  	s7 =	ssub.s32 $0x0, s20;
	[sflag:s22] =	ssyncset.done $0x0  }
0xa7: {  	[sflag:s22] =	ssyncadd.s32 s7;
	_ =	sdelay $0x1  }
0xa8: {  	s23 =	simm.s32 $0x1B8B  }
0xa9: {  	_ =	swait.ge [sflag:s23], $0x1  }
0xaa: {  	[sflag:s23] =	ssyncset.done $0x0  }
0xab: {  	s25 =	simm.s32 $0x1B8E;
	s24 =	sld [smem:$0x3FFE];
	[sflag:s23] =	ssyncadd.s32 $0xFFFFFFFF  }
0xac: {  	s26 =	simm.s32 $execute0_lowered;
	[smem:$0x3FD2] =	sst s25  }
0xad: {  	s8 =	sshll.u32 s26, $0x1;
	_ =	strace $0x80000046;
	[dreg:$0x1] =	wrdreg $0xFFFFFFFF  }
0xae: {  	s28 =	simm.s32 $_size_execute0_lowered;
	s6 =	sadd.s32 s6, s8;
	[dreg:$0x0] =	wrdreg $0x0  }
0xaf: {  	s8 =	sshll.u32 s28, $0x1;
	[dreg:$0x2] =	wrdreg s6  }
0xb0: {  	[dreg:$0x3] =	wrdreg s8  }
0xb1: {  	[dreg:$0x4] =	wrdreg $0xC0  }
0xb2: {  	_ =	task [dreg:s10], $0x5FFFF  }
0xb3: {  	[dreg:$0x1] =	wrdreg $0xFFFFFFFF  }
0xb4: {  	[dreg:$0x0] =	wrdreg $0x60  }
0xb5: {  	[dreg:$0x2] =	wrdreg s15  }
0xb6: {  	[dreg:$0x3] =	wrdreg s24  }
0xb7: {  	[dreg:$0x4] =	wrdreg s4  }
0xb8: {  	[dreg:$0x5] =	wrdreg s16  }
0xb9: {  	[dreg:$0x6] =	wrdreg s17  }
0xba: {  	[dreg:$0x7] =	wrdreg $0x9  }
0xbb: {  	_ =	task.clear_ibuf [dreg:s10], $0x8FFFF;
	_ =	strace $0x90000046  }
0xbc: {  	s29 =	simm.s32 $0x9;
	_ =	strace $0x80000048  }
0xbd: {  	_ =	swait.ge [sflag:s29], $0x1  }
0xbe: {  	[sflag:s29] =	ssyncadd.s32 $0xFFFFFFFF  }
0xbf: {  	_ =	strace $0x90000048  }
0xc0: {  	_ =	sfence  }
0xc1: {  	s30 =	sld [smem:$0x0];
	_ =	sdelay $0x2  }
0xc2: {  	s31 =	sshll.u32 s1, $0xD;
	s1 =	sshrl.u32 s1, $0x2  }
0xc3: {  	s3 =	sand.u32 $0x4000, s31;
	s1 =	sadd.s32 s1, s30  }
0xc4: {  	s0 =	sor.u32 s3, s0;
	s1 =	sshll.u32 s1, $0x11  }
0xc5: {  	s0 =	sor.u32 s1, s0  }
0xc6: {  	s0 =	sadd.s32 $0x8F2B, s0  }
0xc7: {  	[sflag:s0] =	ssyncadd.remote.s32 $0x1  }
0xc8: {  	_ =	sfence.sel $0xFFFF  }
0xc9: {  	[dreg:$0x0] =	wrdreg $0xFFFFFFFF;
	(pc) =	sbr.abs _section_cstart, $3  }
0xca: {  	[dreg:$0x1] =	wrdreg $0xFFFFFFFF  }
0xcb: {  	_ =	task.clear_ibuf [dreg:s10], $0x2FFFF;
	_ =	strace $0x9FFFFFFF  }
0xcc: {  	(tm) =	ssettm $0x7FFFFFFF  }
0xcd: {  	_ =	shalt  }
tec
execute0_lowered:
.L_overlay_start_1:
0x0: {  	(tag) =	ssettag $0x1  }
0x1: {  	s6 =	rddreg [dreg:$0x0]  }
0x2: {  	s10 =	rddreg [dreg:$0x1]  }
0x3: {  	s2 =	rddreg [dreg:$0x2]  }
0x4: {  	s3 =	rddreg [dreg:$0x3]  }
0x5: {  	s4 =	rddreg [dreg:$0x4];
	s5 =	srdreg.scid  }
0x6: {  	s0 =	rddreg [dreg:$0x5];
	s1 =	stileid.u32;
	s25 =	sand.u32 $0x1, s5  }
0x7: {  	s5 =	simm.s32 $0x0;
	s7 =	sshll.u32 s1, $0x9;
	s8 =	sshll.u32 s25, $0x8  }
0x8: {  	[smem:$0x7FF] =	sst s5;
	s8 =	sor.u32 s8, s7  }
0x9: {  	_ =	strace $0x80000047;
	s7 =	simm.s32 $0x5;
	s6 =	sadd.s32 s6, s8  }
0xa: {  	[tilespmem:s5], [sflag:$0x5] =	stream.linear.gather [hbm4b:s6+s5], $0x800, $0x38;
	[tilespmem:$0x11400] =	vst v63  }
0xb: {  	_ =	swait.ge [sflag:s7], $0x800  }
0xc: {  	[sflag:s7] =	ssyncset.done $0x0  }
0xd: {  	s9 =	simm.s32 $0x800;
	s8 =	sadd.s32 s10, s8;
	[sflag:s7] =	ssyncadd.s32 $0xFFFFF800  }
0xe: {  	[tilespmem:s9], [sflag:$0x5] =	stream.linear.gather [hbm4b:s8+s5], $0x800, $0x38;
	[tilespmem:$0x11400] =	vst v63  }
0xf: {  	_ =	swait.ge [sflag:s7], $0x800  }
0x10: {  	s11 =	simm.s32 $0x200;
	[sflag:s7] =	ssyncset.done $0x0  }
0x11: {  	s12 =	simm.s32 $0x1000;
	s10 =	sadd.s32 $0x2000, s10;
	[sflag:s7] =	ssyncadd.s32 $0xFFFFF800  }
0x12: {  	[tilespmem:s12], [sflag:$0x1] =	stream.indirect.gather [hbm4b:s10+s11], $0x40, s9, s11, $0xb8;
	[tilespmem:$0x11400] =	vst v63  }
0x13: {  	s13 =	simm.s32 $0x11000;
	s14 =	simm.s32 $0x1  }
0x14: {  	[tilespmem:s13], [sflag:$0x2] =	stream.indirect.gather [hbm4b:s2+s11], $0x1, s9, s11, $0xb8;
	[tilespmem:$0x11400] =	vst v63  }
0x15: {  	_ =	swait.ge [sflag:s14], $0x8000  }
0x16: {  	[sflag:s14] =	ssyncset.done $0x0  }
0x17: {  	s15 =	simm.s32 $0x2;
	[sflag:s14] =	ssyncadd.s32 $0xFFFF8000  }
0x18: {  	_ =	swait.ge [sflag:s15], $0x200  }
0x19: {  	[sflag:s15] =	ssyncset.done $0x0  }
0x1a: {  	[sflag:s15] =	ssyncadd.s32 $0xFFFFFE00  }
0x1b: {  	[hbm4b:s3+s11] =	stream.indirect.scatter [tilespmem:s12], [sflag:$0x3], $0x40, s5, s11, $0xb8;
	[tilespmem:$0x11400] =	vst v63  }
0x1c: {  	_ = 	snop  }
0x1d: {  	[hbm4b:s4+s11] =	stream.indirect.scatter [tilespmem:s13], [sflag:$0x4], $0x1, s5, s11, $0xb8;
	[tilespmem:$0x11400] =	vst v63  }
0x1e: {  	s16 =	simm.s32 $0xA00;
	s17 =	simm.s32 $0x9000  }
0x1f: {  	[tilespmem:s17], [sflag:$0x1] =	stream.indirect.gather [hbm4b:s10+s11], $0x40, s16, s11, $0xb8;
	[tilespmem:$0x11400] =	vst v63  }
0x20: {  	s18 =	simm.s32 $0x11200  }
0x21: {  	[tilespmem:s18], [sflag:$0x2] =	stream.indirect.gather [hbm4b:s2+s11], $0x1, s16, s11, $0xb8;
	[tilespmem:$0x11400] =	vst v63  }
0x22: {  	_ =	swait.ge [sflag:s14], $0x8000  }
0x23: {  	[sflag:s14] =	ssyncset.done $0x0  }
0x24: {  	[sflag:s14] =	ssyncadd.s32 $0xFFFF8000  }
0x25: {  	_ =	swait.ge [sflag:s15], $0x200  }
0x26: {  	[sflag:s15] =	ssyncset.done $0x0  }
0x27: {  	s19 =	simm.s32 $0x3;
	[sflag:s15] =	ssyncadd.s32 $0xFFFFFE00  }
0x28: {  	_ =	swait.ge [sflag:s19], $0x8000  }
0x29: {  	[sflag:s19] =	ssyncset.done $0x0  }
0x2a: {  	s20 =	simm.s32 $0x4;
	[sflag:s19] =	ssyncadd.s32 $0xFFFF8000  }
0x2b: {  	_ =	swait.ge [sflag:s20], $0x200  }
0x2c: {  	[sflag:s20] =	ssyncset.done $0x0  }
0x2d: {  	[sflag:s20] =	ssyncadd.s32 $0xFFFFFE00  }
0x2e: {  	[hbm4b:s3+s11] =	stream.indirect.scatter [tilespmem:s17], [sflag:$0x3], $0x40, s11, s11, $0xb8;
	[tilespmem:$0x11400] =	vst v63  }
0x2f: {  	_ = 	snop  }
0x30: {  	[hbm4b:s4+s11] =	stream.indirect.scatter [tilespmem:s18], [sflag:$0x4], $0x1, s11, s11, $0xb8;
	[tilespmem:$0x11400] =	vst v63  }
0x31: {  	s21 =	simm.s32 $0xC00  }
0x32: {  	[tilespmem:s12], [sflag:$0x1] =	stream.indirect.gather [hbm4b:s10+s11], $0x40, s21, s11, $0xb8;
	[tilespmem:$0x11400] =	vst v63  }
0x33: {  	_ = 	snop  }
0x34: {  	[tilespmem:s13], [sflag:$0x2] =	stream.indirect.gather [hbm4b:s2+s11], $0x1, s21, s11, $0xb8;
	[tilespmem:$0x11400] =	vst v63  }
0x35: {  	_ =	swait.ge [sflag:s14], $0x8000  }
0x36: {  	[sflag:s14] =	ssyncset.done $0x0  }
0x37: {  	[sflag:s14] =	ssyncadd.s32 $0xFFFF8000  }
0x38: {  	_ =	swait.ge [sflag:s15], $0x200  }
0x39: {  	[sflag:s15] =	ssyncset.done $0x0  }
0x3a: {  	[sflag:s15] =	ssyncadd.s32 $0xFFFFFE00  }
0x3b: {  	_ =	swait.ge [sflag:s19], $0x8000  }
0x3c: {  	[sflag:s19] =	ssyncset.done $0x0  }
0x3d: {  	[sflag:s19] =	ssyncadd.s32 $0xFFFF8000  }
0x3e: {  	_ =	swait.ge [sflag:s20], $0x200  }
0x3f: {  	[sflag:s20] =	ssyncset.done $0x0  }
0x40: {  	s22 =	simm.s32 $0x400;
	[sflag:s20] =	ssyncadd.s32 $0xFFFFFE00  }
0x41: {  	[hbm4b:s3+s11] =	stream.indirect.scatter [tilespmem:s12], [sflag:$0x3], $0x40, s22, s11, $0xb8;
	[tilespmem:$0x11400] =	vst v63  }
0x42: {  	_ = 	snop  }
0x43: {  	[hbm4b:s4+s11] =	stream.indirect.scatter [tilespmem:s13], [sflag:$0x4], $0x1, s22, s11, $0xb8;
	[tilespmem:$0x11400] =	vst v63  }
0x44: {  	s23 =	simm.s32 $0xE00  }
0x45: {  	[tilespmem:s17], [sflag:$0x1] =	stream.indirect.gather [hbm4b:s10+s11], $0x40, s23, s11, $0xb8;
	[tilespmem:$0x11400] =	vst v63  }
0x46: {  	_ = 	snop  }
0x47: {  	[tilespmem:s18], [sflag:$0x2] =	stream.indirect.gather [hbm4b:s2+s11], $0x1, s23, s11, $0xb8;
	[tilespmem:$0x11400] =	vst v63  }
0x48: {  	_ =	swait.ge [sflag:s14], $0x8000  }
0x49: {  	[sflag:s14] =	ssyncset.done $0x0  }
0x4a: {  	s25 =	ssub.s32 $0x2, s25;
	[sflag:s14] =	ssyncadd.s32 $0xFFFF8000  }
0x4b: {  	s26 =	sshrl.u32 s25, $0x1;
	_ =	swait.ge [sflag:s15], $0x200  }
0x4c: {  	s25 =	ssub.s32 s25, s26;
	[sflag:s15] =	ssyncset.done $0x0  }
0x4d: {  	s24 =	simm.s32 $0x600;
	s25 =	smax.u32 s25, $0x1;
	[sflag:s15] =	ssyncadd.s32 $0xFFFFFE00  }
0x4e: {  	[hbm4b:s3+s11] =	stream.indirect.scatter [tilespmem:s17], [sflag:$0x3], $0x40, s24, s11, $0xb8;
	[tilespmem:$0x11400] =	vst v63  }
0x4f: {  	p0 =	sne.s32 s25, $0x1  }
0x50: {  	[hbm4b:s4+s11] =	stream.indirect.scatter [tilespmem:s18], [sflag:$0x4], $0x1, s24, s11, $0xb8;
	[tilespmem:$0x11400] =	vst v63  }
.Ltmp0:
0x51: {  	_ =	swait.ge [sflag:s19], $0x8000;
	(pc) =	sbr.rel @!p0 .LBB2_2-.Ltmp0, $4  }
0x52: {  	[sflag:s19] =	ssyncset.done $0x0  }
0x53: {  	[sflag:s19] =	ssyncadd.s32 $0xFFFF8000  }
0x54: {  	_ =	swait.ge [sflag:s20], $0x200  }
0x55: {  	s25 =	sadd.s32 $0xFFFFFFFF, s25;
	[sflag:s20] =	ssyncset.done $0x0  }
.LBB2_1:
0x56: {  	p0 =	sne.s32 s25, $0x1;
	s25 =	sadd.s32 $0xFFFFFFFF, s25;
	[sflag:s20] =	ssyncadd.s32 $0xFFFFFE00  }
0x57: {  	[tilespmem:s5], [sflag:$0x5] =	stream.linear.gather [hbm4b:s6+s5], $0x800, $0x38;
	[tilespmem:$0x11400] =	vst v63  }
0x58: {  	_ =	swait.ge [sflag:s7], $0x800  }
0x59: {  	[sflag:s7] =	ssyncset.done $0x0  }
0x5a: {  	[sflag:s7] =	ssyncadd.s32 $0xFFFFF800  }
0x5b: {  	[tilespmem:s9], [sflag:$0x5] =	stream.linear.gather [hbm4b:s8+s5], $0x800, $0x38;
	[tilespmem:$0x11400] =	vst v63  }
0x5c: {  	_ =	swait.ge [sflag:s7], $0x800  }
0x5d: {  	[sflag:s7] =	ssyncset.done $0x0  }
0x5e: {  	[sflag:s7] =	ssyncadd.s32 $0xFFFFF800  }
0x5f: {  	[tilespmem:s12], [sflag:$0x1] =	stream.indirect.gather [hbm4b:s10+s11], $0x40, s9, s11, $0xb8;
	[tilespmem:$0x11400] =	vst v63  }
0x60: {  	_ = 	snop  }
0x61: {  	[tilespmem:s13], [sflag:$0x2] =	stream.indirect.gather [hbm4b:s2+s11], $0x1, s9, s11, $0xb8;
	[tilespmem:$0x11400] =	vst v63  }
0x62: {  	_ =	swait.ge [sflag:s14], $0x8000  }
0x63: {  	[sflag:s14] =	ssyncset.done $0x0  }
0x64: {  	[sflag:s14] =	ssyncadd.s32 $0xFFFF8000  }
0x65: {  	_ =	swait.ge [sflag:s15], $0x200  }
0x66: {  	[sflag:s15] =	ssyncset.done $0x0  }
0x67: {  	[sflag:s15] =	ssyncadd.s32 $0xFFFFFE00  }
0x68: {  	[hbm4b:s3+s11] =	stream.indirect.scatter [tilespmem:s12], [sflag:$0x3], $0x40, s5, s11, $0xb8;
	[tilespmem:$0x11400] =	vst v63  }
0x69: {  	_ = 	snop  }
0x6a: {  	[hbm4b:s4+s11] =	stream.indirect.scatter [tilespmem:s13], [sflag:$0x4], $0x1, s5, s11, $0xb8;
	[tilespmem:$0x11400] =	vst v63  }
0x6b: {  	_ = 	snop  }
0x6c: {  	[tilespmem:s17], [sflag:$0x1] =	stream.indirect.gather [hbm4b:s10+s11], $0x40, s16, s11, $0xb8;
	[tilespmem:$0x11400] =	vst v63  }
0x6d: {  	_ = 	snop  }
0x6e: {  	[tilespmem:s18], [sflag:$0x2] =	stream.indirect.gather [hbm4b:s2+s11], $0x1, s16, s11, $0xb8;
	[tilespmem:$0x11400] =	vst v63  }
0x6f: {  	_ =	swait.ge [sflag:s14], $0x8000  }
0x70: {  	[sflag:s14] =	ssyncset.done $0x0  }
0x71: {  	[sflag:s14] =	ssyncadd.s32 $0xFFFF8000  }
0x72: {  	_ =	swait.ge [sflag:s15], $0x200  }
0x73: {  	[sflag:s15] =	ssyncset.done $0x0  }
0x74: {  	[sflag:s15] =	ssyncadd.s32 $0xFFFFFE00  }
0x75: {  	_ =	swait.ge [sflag:s19], $0x8000  }
0x76: {  	[sflag:s19] =	ssyncset.done $0x0  }
0x77: {  	[sflag:s19] =	ssyncadd.s32 $0xFFFF8000  }
0x78: {  	_ =	swait.ge [sflag:s20], $0x200  }
0x79: {  	[sflag:s20] =	ssyncset.done $0x0  }
0x7a: {  	[sflag:s20] =	ssyncadd.s32 $0xFFFFFE00  }
0x7b: {  	[hbm4b:s3+s11] =	stream.indirect.scatter [tilespmem:s17], [sflag:$0x3], $0x40, s11, s11, $0xb8;
	[tilespmem:$0x11400] =	vst v63  }
0x7c: {  	_ = 	snop  }
0x7d: {  	[hbm4b:s4+s11] =	stream.indirect.scatter [tilespmem:s18], [sflag:$0x4], $0x1, s11, s11, $0xb8;
	[tilespmem:$0x11400] =	vst v63  }
0x7e: {  	_ = 	snop  }
0x7f: {  	[tilespmem:s12], [sflag:$0x1] =	stream.indirect.gather [hbm4b:s10+s11], $0x40, s21, s11, $0xb8;
	[tilespmem:$0x11400] =	vst v63  }
0x80: {  	_ = 	snop  }
0x81: {  	[tilespmem:s13], [sflag:$0x2] =	stream.indirect.gather [hbm4b:s2+s11], $0x1, s21, s11, $0xb8;
	[tilespmem:$0x11400] =	vst v63  }
0x82: {  	_ =	swait.ge [sflag:s14], $0x8000  }
0x83: {  	[sflag:s14] =	ssyncset.done $0x0  }
0x84: {  	[sflag:s14] =	ssyncadd.s32 $0xFFFF8000  }
0x85: {  	_ =	swait.ge [sflag:s15], $0x200  }
0x86: {  	[sflag:s15] =	ssyncset.done $0x0  }
0x87: {  	[sflag:s15] =	ssyncadd.s32 $0xFFFFFE00  }
0x88: {  	_ =	swait.ge [sflag:s19], $0x8000  }
0x89: {  	[sflag:s19] =	ssyncset.done $0x0  }
0x8a: {  	[sflag:s19] =	ssyncadd.s32 $0xFFFF8000  }
0x8b: {  	_ =	swait.ge [sflag:s20], $0x200  }
0x8c: {  	[sflag:s20] =	ssyncset.done $0x0  }
0x8d: {  	[sflag:s20] =	ssyncadd.s32 $0xFFFFFE00  }
0x8e: {  	[hbm4b:s3+s11] =	stream.indirect.scatter [tilespmem:s12], [sflag:$0x3], $0x40, s22, s11, $0xb8;
	[tilespmem:$0x11400] =	vst v63  }
0x8f: {  	_ = 	snop  }
0x90: {  	[hbm4b:s4+s11] =	stream.indirect.scatter [tilespmem:s13], [sflag:$0x4], $0x1, s22, s11, $0xb8;
	[tilespmem:$0x11400] =	vst v63  }
0x91: {  	_ = 	snop  }
0x92: {  	[tilespmem:s17], [sflag:$0x1] =	stream.indirect.gather [hbm4b:s10+s11], $0x40, s23, s11, $0xb8;
	[tilespmem:$0x11400] =	vst v63  }
0x93: {  	_ = 	snop  }
0x94: {  	[tilespmem:s18], [sflag:$0x2] =	stream.indirect.gather [hbm4b:s2+s11], $0x1, s23, s11, $0xb8;
	[tilespmem:$0x11400] =	vst v63  }
0x95: {  	_ =	swait.ge [sflag:s14], $0x8000  }
0x96: {  	[sflag:s14] =	ssyncset.done $0x0  }
0x97: {  	[sflag:s14] =	ssyncadd.s32 $0xFFFF8000  }
0x98: {  	_ =	swait.ge [sflag:s15], $0x200  }
0x99: {  	[sflag:s15] =	ssyncset.done $0x0  }
0x9a: {  	[sflag:s15] =	ssyncadd.s32 $0xFFFFFE00  }
0x9b: {  	[hbm4b:s3+s11] =	stream.indirect.scatter [tilespmem:s17], [sflag:$0x3], $0x40, s24, s11, $0xb8;
	[tilespmem:$0x11400] =	vst v63  }
0x9c: {  	_ = 	snop  }
0x9d: {  	[hbm4b:s4+s11] =	stream.indirect.scatter [tilespmem:s18], [sflag:$0x4], $0x1, s24, s11, $0xb8;
	[tilespmem:$0x11400] =	vst v63  }
.Ltmp1:
0x9e: {  	_ =	swait.ge [sflag:s19], $0x8000;
	(pc) =	sbr.rel @p0 .LBB2_1-.Ltmp1, $4  }
0x9f: {  	[sflag:s19] =	ssyncset.done $0x0  }
0xa0: {  	[sflag:s19] =	ssyncadd.s32 $0xFFFF8000  }
0xa1: {  	_ =	swait.ge [sflag:s20], $0x200  }
0xa2: {  	[sflag:s20] =	ssyncset.done $0x0  }
.LBB2_2:
0xa3: {  	[sflag:s20] =	ssyncadd.s32 $0xFFFFFE00  }
0xa4: {  	_ =	sfence.sel $0x180000  }
0xa5: {  	[bflag:$0x0] =	sbarrier.arrive $0xFFFF  }
0xa6: {  	p0 =	sne.s32 s1, $0x0;
	_ =	strace $0x90000047  }
0xa7: {  	s0 =	sadd.s32 @!p0 $0x100000, s0;
	[bflag:$0x2] =	sbarrier.arrive $0xFFFF  }
0xa8: {  	[sflag:s0] =	ssyncadd.tile.s32 @!p0 $0x1;
	_ =	shalt  }
.Lfunc_end2:
_tile_overlayer_lowered:
.L_overlay_start_2:
0xa9: {  	(tag) =	ssettag $0x2  }
0xaa: {  	s0 =	rddreg [dreg:$0x0];
	s2 =	stileid.u32  }
0xab: {  	s1 =	rddreg [dreg:$0x1];
	p0 =	sne.s32 s2, $0x0  }
0xac: {  	s3 =	rddreg [dreg:$0x2];
	[bflag:$0x3] =	sbarrier.arrive $0xFFFF;
	s2 =	simm.s32 @!p0 $0x1C05  }
0xad: {  	[timem:s3], [sflag:s2] =	dma.local @!p0 [hbm:s0], s1  }
0xae: {  	s0 =	simm.s32 @!p0 $0x5  }
0xaf: {  	_ =	swait.ge @!p0 [sflag:s0], s1  }
0xb0: {  	s1 =	ssub.s32 @!p0 $0x0, s1;
	[sflag:s0] =	ssyncset.done @!p0 $0x0  }
0xb1: {  	[sflag:s0] =	ssyncadd.s32 @!p0 s1  }
0xb2: {  	[bflag:$0x3] =	sbarrier.arrive $0xFFFF  }
0xb3: {  	_ =	shalt  }

// kernel: sparse-core-data-format-call.cloned.1.call-start
scs
called_computation_lowered:
.L_overlay_start_0:
0x0: {  	s2 =	sld [smem:$0x3FD9]  }
0x1: {  	s3 =	sld [smem:$0x3FFE];
	_ =	sdelay $0x1  }
0x2: {  	s1 =	srdreg.scid  }
0x3: {  	s0 =	sand.u32 $0x1, s1  }
0x4: {  	s15 =	sshll.u32 s0, $0xA;
	s2 =	sadd.s32 s3, s2  }
0x5: {  	s2 =	sadd.s32 s2, s15  }
0x6: {  	[smem:$0x3FC1] =	sst s2  }
0x7: {  	_ = 	snop  }
0x8: {  	s2 =	sld [smem:$0x3FD0];
	_ =	sdelay $0x2  }
0x9: {  	s16 =	simm.s32 $0xA;
	s4 =	simm.s32 $0x10  }
0xa: {  	[smem:s4], [sflag:s16] =	dma.local [hbm:s2], $0x1  }
0xb: {  	_ =	swait.eq [sflag:s16], $0x1  }
0xc: {  	[sflag:s16] =	ssyncset.done $0x0  }
0xd: {  	[sflag:s16] =	ssyncadd.s32 $0xFFFFFFFF  }
0xe: {  	s17 =	sld [smem:$0x10];
	(tm) =	ssettm $0x1  }
0xf: {  	s18 =	sld [smem:$0x3FFB];
	_ =	sdelay $0x3  }
0x10: {  	_ =	strace s18  }
0x11: {  	s3 =	sld [smem:$0x3FFC];
	_ =	sdelay $0x3  }
0x12: {  	_ =	strace s3  }
0x13: {  	s3 =	sld [smem:$0x3FFD];
	_ =	sdelay $0x3  }
0x14: {  	_ =	strace s3  }
0x15: {  	_ =	strace $0x8FFFFFFF  }
0x16: {  	s19 =	sld [smem:$0x3FDB];
	_ =	sdelay $0x1  }
0x17: {  	s20 =	simm.s32 $_scs_section_size  }
0x18: {  	s5 =	simm.s32 $_size__tile_overlayer_lowered;
	s6 =	simm.s32 $_tile_overlayer_lowered  }
0x19: {  	s23 =	simm.s32 $0x1BFF;
	s22 =	sshll.u32 s6, $0x1;
	s3 =	sadd.s32 s20, s19  }
0x1a: {  	s7 =	simm.s32 $0x0;
	s21 =	sshll.u32 s5, $0x1;
	s5 =	sadd.s32 s22, s3  }
0x1b: {  	[timem:s7], [sflag:s23] =	dma.local [hbm:s5], s21  }
0x1c: {  	_ =	swait.ge [sflag:s23], s21  }
0x1d: {  	s4 =	ssub.s32 $0x0, s21;
	[sflag:s23] =	ssyncset.done $0x0  }
0x1e: {  	[sflag:s23] =	ssyncadd.s32 s4;
	_ =	sdelay $0x1  }
0x1f: {  	s24 =	simm.s32 $0x1B8B  }
0x20: {  	_ =	swait.ge [sflag:s24], $0x1  }
0x21: {  	[sflag:s24] =	ssyncset.done $0x0  }
0x22: {  	s26 =	simm.s32 $0x1B8E;
	s25 =	sld [smem:$0x3FFE];
	[sflag:s24] =	ssyncadd.s32 $0xFFFFFFFF  }
0x23: {  	s27 =	simm.s32 $execute0_lowered;
	[smem:$0x3FD2] =	sst s26  }
0x24: {  	s5 =	sshll.u32 s27, $0x1;
	_ =	strace $0x80000049;
	[dreg:$0x1] =	wrdreg $0xFFFFFFFF  }
0x25: {  	s28 =	simm.s32 $_size_execute0_lowered;
	s3 =	sadd.s32 s3, s5;
	[dreg:$0x0] =	wrdreg $0x0  }
0x26: {  	s5 =	sshll.u32 s28, $0x1;
	[dreg:$0x2] =	wrdreg s3  }
0x27: {  	[dreg:$0x3] =	wrdreg s5  }
0x28: {  	[dreg:$0x4] =	wrdreg $0xC0  }
0x29: {  	_ =	task [dreg:s7], $0x5FFFF  }
0x2a: {  	[dreg:$0x1] =	wrdreg $0xFFFFFFFF  }
0x2b: {  	[dreg:$0x0] =	wrdreg $0x60  }
0x2c: {  	[dreg:$0x2] =	wrdreg s25  }
0x2d: {  	[dreg:$0x3] =	wrdreg s17  }
0x2e: {  	[dreg:$0x4] =	wrdreg $0x9  }
0x2f: {  	_ =	task.clear_ibuf [dreg:s7], $0x5FFFF;
	_ =	strace $0x90000049  }
0x30: {  	s29 =	simm.s32 $0x9;
	_ =	strace $0x8000004B  }
0x31: {  	_ =	swait.ge [sflag:s29], $0x1  }
0x32: {  	[sflag:s29] =	ssyncadd.s32 $0xFFFFFFFF  }
0x33: {  	_ =	strace $0x9000004B  }
0x34: {  	_ =	sfence  }
0x35: {  	s30 =	sld [smem:$0x0];
	_ =	sdelay $0x2  }
0x36: {  	s31 =	sshll.u32 s1, $0xD;
	s1 =	sshrl.u32 s1, $0x2  }
0x37: {  	s3 =	sand.u32 $0x4000, s31;
	s1 =	sadd.s32 s1, s30  }
0x38: {  	s0 =	sor.u32 s3, s0;
	s1 =	sshll.u32 s1, $0x11  }
0x39: {  	s0 =	sor.u32 s1, s0  }
0x3a: {  	s0 =	sadd.s32 $0x8F2B, s0  }
0x3b: {  	[sflag:s0] =	ssyncadd.remote.s32 $0x1  }
0x3c: {  	_ =	sfence.sel $0xFFFF  }
0x3d: {  	[dreg:$0x0] =	wrdreg $0xFFFFFFFF;
	(pc) =	sbr.abs _section_cstart, $3  }
0x3e: {  	[dreg:$0x1] =	wrdreg $0xFFFFFFFF  }
0x3f: {  	_ =	task.clear_ibuf [dreg:s7], $0x2FFFF;
	_ =	strace $0x9FFFFFFF  }
0x40: {  	(tm) =	ssettm $0x7FFFFFFF  }
0x41: {  	_ =	shalt  }
tec
execute0_lowered:
.L_overlay_start_1:
0x0: {  	(tag) =	ssettag $0x1  }
0x1: {  	s0 =	srdreg.scid;
	s2 =	rddreg [dreg:$0x0]  }
0x2: {  	s3 =	rddreg [dreg:$0x1];
	s5 =	simm.s32 $0x1;
	s1 =	sshll.u32 s0, $0x4  }
0x3: {  	s7 =	simm.s32 $0x2;
	s0 =	stileid.u32;
	s1 =	sand.u32 $0x10, s1  }
.Ltmp0:
0x4: {  	s11 =	simm.s32 $0x0;
	s4 =	sor.u32 s0, s1;
	(pc) =	sbr.rel .LBB1_1-.Ltmp0, $4  }
0x5: {  	p0 =	por $0x0, $0x0;
	s8 =	simm.s32 $0x7A1400;
	s4 =	sshll.u32 s4, $0x7  }
0x6: {  	s1 =	rddreg [dreg:$0x2];
	_ =	strace $0x8000004A;
	s6 =	ssub.s32 $0xF4200, s4  }
0x7: {  	s10 =	simm.s32 $0x0;
	[sflag:s5] =	ssyncpa.u1 $0x0;
	s6 =	sshrl.u32 s6, $0xC  }
0x8: {  	[sflag:s7] =	ssyncpa.u1 $0x0;
	s9 =	smov.u32 s4;
	s7 =	sadd.s32 $0x2, s6  }
.LBB1_5:
0x9: {  	s13 =	sadd.s32 $0x1000, s9  }
0xa: {  	p2 =	sgt.s32 s13, $0xF423F  }
0xb: {  	s13 =	smov.u32 @p2 s4;
	p2 =	sne.s32 s10, s7  }
.Ltmp1:
0xc: {  	p1 =	slt.u32 s10, $0x2;
	(pc) =	sbr.rel @!p2 .LBB1_6-.Ltmp1, $4  }
0xd: {  	s12 =	simm.s32 @!p1 $0x2  }
0xe: {  	s14 =	sadd.s32 $0x1, s10;
	_ =	swait.ge @!p1 [sflag:s12], $0x2000  }
0xf: {  	s11 =	smov.u32 s9;
	p0 =	por !p0, !p0;
	[sflag:s12] =	ssyncset.done @!p1 $0x0  }
0x10: {  	s10 =	smov.u32 s14;
	s9 =	smov.u32 s13;
	[sflag:s12] =	ssyncadd.s32 @!p1 $0xFFFFE000  }
.LBB1_1:
0x11: {  	p1 =	sgt.u32 s10, s6  }
0x12: {  	s13 =	smov.u32 s9;
	p2 =	sgt.s32 @!p1 s9, $0xF41C0  }
0x13: {  	s12 =	sand.u32 @!p1 $0x1FFFFFF, s9;
	s14 =	sshra.s32 @!p1 s9, $0x1F;
	p2 =	por !p2, p1  }
0x14: {  	s15 =	smulhi.u32 @!p1 $0x218DEF5, s12;
	s14 =	sand.u32 @!p1 s14, s9;
	s13 =	simm.s32 @p2 $0xF41C0  }
0x15: {  	s13 =	ssub.s32 @!p1 s13, s14  }
0x16: {  	s14 =	sshrl.u32 @!p1 s15, $0xD;
	s13 =	sadd.s32 @!p1 $0xFFF0BE40, s13  }
0x17: {  	s15 =	sxor.u32 @!p1 $0xFFFFFFFF, s10;
	s14 =	smul.u32 @!p1 $0xF4240, s14;
	s16 =	sshll.u32 @!p1 s13, $0x8  }
0x18: {  	s15 =	sshll.u32 @!p1 s15, $0xD;
	p2 =	sgt.s32 @!p1 s13, $0x7F;
	s13 =	ssub.s32 @!p1 $0x8000, s16  }
0x19: {  	s12 =	ssub.s32 @!p1 s12, s14;
	p2 =	por !p2, p1;
	s14 =	sand.u32 @!p1 $0x2000, s15  }
0x1a: {  	s15 =	simm.s32 @!p1 $0x40;
	s13 =	sshrl.u32 @!p1 s13, $0x2;
	s12 =	sshll.u32 @!p1 s12, $0x4  }
0x1b: {  	s16 =	simm.s32 @!p1 $0x80;
	s13 =	simm.s32 @!p2 $0x0;
	s12 =	sadd.s32 @!p1 s2, s12  }
0x1c: {  	[tilespmem:s14], [sflag:$0x1] =	stream.strided.gather @!p1 [hbm4b:s12+s15], s13, s16, s15, $0x38;
	[tilespmem:$0x8080] =	vst v63  }
0x1d: {  	p1 =	seq.s32 s10, $0x0  }
0x1e: {  	p2 =	sge.u32 @!p1 s10, s7  }
0x1f: {  	p1 =	por p1, p2  }
.Ltmp2:
0x20: {  	_ = 	snop;
	(pc) =	sbr.rel @p1 .LBB1_5-.Ltmp2, $1  }
0x21: {  	_ =	sdelay $0x3  }
0x22: {  	p1 =	sgt.s32 s11, $0xF41C0;
	s12 =	smov.u32 s11;
	s13 =	sshra.s32 s11, $0x1F  }
0x23: {  	s12 =	simm.s32 @!p1 $0xF41C0;
	s13 =	sand.u32 s13, s11  }
0x24: {  	s12 =	ssub.s32 s12, s13  }
0x25: {  	s12 =	sadd.s32 $0xFFF0BE40, s12  }
0x26: {  	s28 =	sshll.u32 s12, $0x8  }
0x27: {  	s13 =	ssub.s32 $0x8000, s28  }
0x28: {  	p1 =	sgt.s32 s12, $0x7F;
	s12 =	sshrl.u32 s13, $0x2  }
0x29: {  	s13 =	simm.s32 $0x1;
	s12 =	simm.s32 @p1 $0x0  }
0x2a: {  	s13 =	simm.s32 @!p0 $0x0;
	_ =	swait.ge [sflag:s5], s12  }
0x2b: {  	s14 =	sshll.u32 s13, $0xD;
	s12 =	ssub.s32 $0x0, s12;
	[sflag:s5] =	ssyncset.done $0x0  }
0x2c: {  	s16 =	sor.u32 $0x20, s14;
	[sflag:s5] =	ssyncadd.s32 s12  }
0x2d: {  	s29 =	smul.u32 $0x8100, s13;
	v3 =	vld [tilespmem:s16+$0x10]  }
0x2e: {  	s30 =	sand.u32 $0x1, s10;
	v2 =	vld [tilespmem:s16+$0xFFFFFFF0]  }
0x2f: {  	s13 =	smul.u32 $0x8100, s30;
	s12 =	sshrl.u32 s29, $0x2;
	v0 =	vld [tilespmem:s16+$0x0]  }
0x30: {  	s14 =	sor.u32 $0x4000, s12;
	v1 =	vld [tilespmem:s16+$0xFFFFFFE0]  }
0x31: {  	s31 =	sshrl.u32 s13, $0x2;
	s13 =	sadd.s32 $0x0, s14  }
0x32: {  	s15 =	simm.s32 $0x4;
	s12 =	sor.u32 $0x4000, s31;
	s16 =	sadd.s32 $0x40, s16;
	[tilespmem:s13+$0x1830 ss:$0x81] =	vst.msk $0xffff, v3  }
.LBB1_3:
0x33: {  	v3 =	vld [tilespmem:s16+$0x10];
	p1 =	sne.s32 s15, $0x1FC;
	[tilespmem:s13+$0x810 ss:$0x81] =	vst.msk $0xffff, v2;
	s17 =	smov.u32 s15;
	s15 =	sadd.s32 $0x4, s15  }
.Ltmp3:
0x34: {  	v2 =	vld [tilespmem:s16+$0xFFFFFFF0];
	[tilespmem:s13+$0x1020 ss:$0x81] =	vst.msk $0xffff, v0;
	(pc) =	sbr.rel @p1 .LBB1_3-.Ltmp3, $4  }
0x35: {  	v0 =	vld [tilespmem:s16+$0x0];
	[tilespmem:s13+$0x0 ss:$0x81] =	vst.msk $0xffff, v1  }
0x36: {  	s13 =	sshra.s32 s17, $0x2;
	v1 =	vld [tilespmem:s16+$0xFFFFFFE0]  }
0x37: {  	s13 =	sadd.s32 s13, s14  }
0x38: {  	s16 =	sadd.s32 $0x40, s16;
	[tilespmem:s13+$0x1830 ss:$0x81] =	vst.msk $0xffff, v3  }
0x39: {  	s14 =	sshll.u32 s11, $0x3  }
0x3a: {  	s30 =	sand.u32 $0x7F, s11;
	s14 =	sand.u32 $0xFFFFFC00, s14  }
0x3b: {  	s11 =	sor.u32 s30, s14  }
0x3c: {  	s15 =	smulhi.u32 $0x218D6287, s11;
	_ =	sdelay $0x1  }
0x3d: {  	s14 =	smulhi.u32 $0x218D6287, s14;
	s15 =	sshrl.u32 s15, $0x11  }
0x3e: {  	s15 =	smul.u32 $0xF4280, s15  }
0x3f: {  	s14 =	sshrl.u32 s14, $0x11  }
.Ltmp4:
0x40: {  	s14 =	sand.u32 $0x3F, s14;
	s11 =	ssub.s32 s11, s15;
	(pc) =	sbr.rel .LBB1_5-.Ltmp4, $4  }
0x41: {  	[tilespmem:s13+$0x810 ss:$0x81] =	vst.msk $0xffff, v2;
	s14 =	smul.u32 $0x1E850, s14;
	s15 =	sshrl.u32 s11, $0x3;
	s11 =	sand.u32 $0x7, s11  }
0x42: {  	[tilespmem:s13+$0x1020 ss:$0x81] =	vst.msk $0xffff, v0;
	s15 =	sadd.s32 s3, s15;
	s11 =	sshll.u32 s11, $0x12  }
0x43: {  	[tilespmem:s13+$0x0 ss:$0x81] =	vst.msk $0xffff, v1;
	s31 =	sadd.s32 s14, s15;
	s11 =	sor.u32 $0x400, s11  }
0x44: {  	[hbm4b:s31+s11] =	stream.strided.scatter [tilespmem:s12], [sflag:$0x2], $0x2000, s8, s11, $0x20;
	[tilespmem:$0x8080] =	vst v63  }
.LBB1_6:
0x45: {  	_ =	sfence.sel $0x180000  }
0x46: {  	s2 =	simm.s32 $0x1;
	[bflag:$0x0] =	sbarrier.arrive $0xFFFF  }
0x47: {  	s31 =	simm.s32 $0x2;
	[sflag:s2] =	ssyncpa.u1 $0x1  }
0x48: {  	[sflag:s31] =	ssyncpa.u1 $0x1  }
0x49: {  	p0 =	sne.s32 s0, $0x0;
	_ =	strace $0x9000004A  }
0x4a: {  	s0 =	sadd.s32 @!p0 $0x100000, s1;
	[bflag:$0x2] =	sbarrier.arrive $0xFFFF  }
0x4b: {  	[sflag:s0] =	ssyncadd.tile.s32 @!p0 $0x1;
	_ =	shalt  }
.Lfunc_end1:
_tile_overlayer_lowered:
.L_overlay_start_2:
0x4c: {  	(tag) =	ssettag $0x2  }
0x4d: {  	s0 =	rddreg [dreg:$0x0];
	s2 =	stileid.u32  }
0x4e: {  	s1 =	rddreg [dreg:$0x1];
	p0 =	sne.s32 s2, $0x0  }
0x4f: {  	s3 =	rddreg [dreg:$0x2];
	[bflag:$0x3] =	sbarrier.arrive $0xFFFF;
	s2 =	simm.s32 @!p0 $0x1C01  }
0x50: {  	[timem:s3], [sflag:s2] =	dma.local @!p0 [hbm:s0], s1  }
0x51: {  	s0 =	simm.s32 @!p0 $0x1  }
0x52: {  	_ =	swait.ge @!p0 [sflag:s0], s1  }
0x53: {  	s1 =	ssub.s32 @!p0 $0x0, s1;
	[sflag:s0] =	ssyncset.done @!p0 $0x0  }
0x54: {  	[sflag:s0] =	ssyncadd.s32 @!p0 s1  }
0x55: {  	[bflag:$0x3] =	sbarrier.arrive $0xFFFF  }
0x56: {  	_ =	shalt  }

</sc_bundles>
